<compile_context>
chip_gen: v7x
topology: tpu7x:2x2x1
jax: 0.10.2.dev20260603
libtpu: 0.0.44.dev20260713+nightly
codegen_flags: <defaults>
</compile_context>

<pallas_src>
import functools

import jax
import jax.numpy as jnp
from jax import lax
from jax.experimental import pallas as pl
from jax.experimental.pallas import tpu as pltpu
from jax.experimental.pallas import tpu_sc as plsc

N_TOKENS = 8192
N_CODES = 8192
DIM = 256
COMMIT = 0.25

TN = 256
CH = 256
NNT = N_TOKENS // TN
NCH = N_CODES // CH
FBIG = 3.0e38


def _argmin_body(x_ref, e_ref, x2_ref, e2_ref, idx_ref, loss_ref, acc_ref):
    n = pl.program_id(0)
    x2d = x_ref[...] * 2.0
    x2 = x2_ref[...]
    m_acc = None
    cc_acc = None
    for c in range(NCH):
        e_sub = e_ref[pl.ds(c * CH, CH), :]
        s2 = lax.dot_general(x2d, e_sub, (((1,), (1,)), ((), ())),
                             preferred_element_type=jnp.float32)
        d = (x2 + e2_ref[:, pl.ds(c * CH, CH)]) - s2
        d0 = d[:, :128]
        d1 = d[:, 128:]
        if m_acc is None:
            better = d1 < d0
            m_acc = jnp.where(better, d1, d0)
            cc_acc = jnp.where(better, 1.0, 0.0)
        else:
            b0 = d0 < m_acc
            cc_acc = jnp.where(b0, float(2 * c), cc_acc)
            m_acc = jnp.where(b0, d0, m_acc)
            b1 = d1 < m_acc
            cc_acc = jnp.where(b1, float(2 * c + 1), cc_acc)
            m_acc = jnp.where(b1, d1, m_acc)

    m_fin = jnp.min(m_acc, axis=1, keepdims=True)
    lane = lax.broadcasted_iota(jnp.int32, (TN, 128), 1).astype(jnp.float32)
    jfull = cc_acc * 128.0 + lane
    i_fin = jnp.min(jnp.where(m_acc == m_fin, jfull, FBIG),
                    axis=1, keepdims=True)
    idx_ref[...] = i_fin.astype(jnp.int32).reshape(1, 1, TN)
    prev = jnp.where(n == 0, 0.0, acc_ref[0])
    acc_ref[0] = prev + jnp.sum(m_fin)

    @pl.when(n == NNT - 1)
    def _():
        loss_ref[0] = acc_ref[0] * (COMMIT / (N_TOKENS * DIM))


_argmin_call = pl.pallas_call(
    _argmin_body,
    grid=(NNT,),
    in_specs=[
        pl.BlockSpec((TN, DIM), lambda n: (n, 0)),
        pl.BlockSpec((N_CODES, DIM), lambda n: (0, 0)),
        pl.BlockSpec((TN, 1), lambda n: (n, 0)),
        pl.BlockSpec((1, N_CODES), lambda n: (0, 0)),
    ],
    out_specs=[
        pl.BlockSpec((1, 1, TN), lambda n: (n, 0, 0)),
        pl.BlockSpec(memory_space=pltpu.SMEM),
    ],
    out_shape=[
        jax.ShapeDtypeStruct((NNT, 1, TN), jnp.int32),
        jax.ShapeDtypeStruct((1,), jnp.float32),
    ],
    scratch_shapes=[
        pltpu.SMEM((1,), jnp.float32),
    ],
)


def _sc_gather(table, idx):
    mesh = plsc.VectorSubcoreMesh(core_axis_name="c", subcore_axis_name="s")
    nw = mesh.num_cores * mesh.num_subcores
    bpw = N_TOKENS // nw
    nch = bpw // 128
    idx3 = idx.reshape(nw, nch, 128)

    @functools.partial(
        pl.kernel,
        mesh=mesh,
        out_type=jax.ShapeDtypeStruct((N_TOKENS, DIM), jnp.float32),
        scratch_types=[
            pltpu.VMEM((nch, 128), jnp.int32),
            pltpu.VMEM((bpw, DIM), jnp.float32),
            pltpu.SemaphoreType.DMA,
        ],
    )
    def gather_kernel(table_hbm, idx_hbm, out_hbm, idx_v, rows_v, sem):
        wid = lax.axis_index("s") * mesh.num_cores + lax.axis_index("c")
        base = wid * bpw
        pltpu.sync_copy(idx_hbm.at[wid], idx_v)
        copies = [
            pltpu.async_copy(table_hbm.at[idx_v.at[j]],
                             rows_v.at[pl.ds(j * 128, 128)], sem)
            for j in range(nch)
        ]
        for c in copies:
            c.wait()
        pltpu.sync_copy(rows_v, out_hbm.at[pl.ds(base, bpw)])

    return gather_kernel(table, idx3)


def kernel(inputs, emb_weight):
    inputs = inputs.astype(jnp.float32)
    B, C, H, W = inputs.shape
    flat = jnp.transpose(inputs, (0, 2, 3, 1)).reshape(-1, DIM)
    x2 = jnp.sum(flat ** 2, axis=1, keepdims=True)
    e2 = jnp.sum(emb_weight.T ** 2, axis=0, keepdims=True)
    idx2d, loss1 = _argmin_call(flat, emb_weight, x2, e2)
    q = _sc_gather(emb_weight, idx2d.reshape(-1))
    quantized_st = jnp.transpose(q.reshape(B, H, W, C), (0, 3, 1, 2))
    return loss1[0], quantized_st

# --- scband reference (transcript-rebuilt; emitter-appended) ---
"""Pipeline reference for scband-vector-quantizer-ema-5789615915724 (READ-ONLY COPY).

The authoritative reference and input builder live on the scoring server;
editing this copy changes nothing except your own understanding.
"""

import jax, jax.numpy as jnp
import numpy as np

NUM_EMBEDDINGS = 8192
EMBEDDING_DIM = 256
COMMITMENT_COST = 0.25


def setup_inputs(seed: int = 0) -> dict:
    key = jax.random.key(seed)
    k1, k2 = jax.random.split(key)
    inputs = jax.random.normal(k1, (8, 256, 32, 32), dtype=jnp.float32)
    # nn.Embedding default init is N(0, 1) and embedding_init='normal' keeps it
    emb_weight = jax.random.normal(k2, (NUM_EMBEDDINGS, EMBEDDING_DIM), dtype=jnp.float32)
    return {"inputs": inputs, "emb_weight": emb_weight}


def reference(inputs, emb_weight):
    # dimensions = 2 -> flatten_permutation [0,2,3,1], quantization_permutation [0,3,1,2]
    inputs = inputs.astype(jnp.float32)
    B, C, H, W = inputs.shape
    flat_input = jnp.transpose(inputs, (0, 2, 3, 1)).reshape(-1, EMBEDDING_DIM)
    # distances: ||x||^2 + ||e||^2 - 2 x e^T  -> [B*H*W, K]
    distances = (
        jnp.sum(flat_input ** 2, axis=1, keepdims=True)
        + jnp.sum(emb_weight.T ** 2, axis=0, keepdims=True)
        - 2.0 * jnp.dot(flat_input, emb_weight.T)
    )
    encoding_indices = jnp.argmax(-distances, axis=1)
    encoding_indices_grid = encoding_indices.reshape(B, H, W)
    # embed: [B,H,W,C] -> permute to channel-first [B,C,H,W]
    quantized = jnp.take(emb_weight, encoding_indices_grid, axis=0)
    quantized = jnp.transpose(quantized, (0, 3, 1, 2))
    # commitment loss (quantized is detached in torch; outputs computed before EMA update,
    # so eval/train forward outputs are identical)
    loss = COMMITMENT_COST * jnp.mean((jax.lax.stop_gradient(quantized) - inputs) ** 2)
    # straight-through estimator
    quantized_st = inputs + jax.lax.stop_gradient(quantized - inputs)
    return loss, quantized_st

if __name__ == "__main__":
    import jax
    _d = setup_inputs()
    print(jax.jit(kernel)(*tuple(_d.values())))

</pallas_src>

<mosaic_0001>
#map = affine_map<(d0, d1) -> (0, 0)>
#map1 = affine_map<(d0, d1) -> (0, 0, 0)>
module attributes {stable_mosaic.version = 14 : i64} {
  func.func @gather_kernel(%arg0: i32, %arg1: i32, %arg2: memref<8192x256xf32, #tpu.memory_space<hbm>>, %arg3: memref<32x2x128xi32, #tpu.memory_space<hbm>>, %arg4: memref<8192x256xf32, #tpu.memory_space<hbm>>, %arg5: memref<2x128xi32, #tpu.memory_space<vmem>>, %arg6: memref<256x256xf32, #tpu.memory_space<vmem>>, %arg7: memref<!tpu.dma_semaphore, #tpu.memory_space<semaphore_mem>>) attributes {dimension_semantics = [#tpu.dimension_semantics<core_parallel>, #tpu.dimension_semantics<subcore_parallel>], iteration_bounds = array<i64: 2, 16>, scalar_prefetch = 0 : i64, scratch_operands = 3 : i64, tpu.core_type = #tpu.core_type<sc_vector_subcore>, window_params = [{transform_indices = #map}, {transform_indices = #map1}, {transform_indices = #map}]} {
    %mul3A = arith.constant 2 : i32
    %mul3A_0 = arith.muli %arg1, %mul3A : i32
    %add3A = arith.addi %mul3A_0, %arg0 : i32
    %mul3A_1 = arith.constant 256 : i32
    %mul3A_2 = arith.muli %add3A, %mul3A_1 : i32
    "tpu.region"() ({
      %run_scoped3A = tpu.sem_alloc : memref<!tpu.dma_semaphore, #tpu.memory_space<semaphore_mem>>
      %dma_start3A_41 = arith.constant 0 : i32
      %dma_start3A_42 = arith.constant 0 : i32
      %dma_start3A_43 = tpu.memref_slice %arg3[%add3A, %dma_start3A_41, %dma_start3A_42] : memref<32x2x128xi32, #tpu.memory_space<hbm>> -> memref<1x2x128xi32, #tpu.memory_space<hbm>>
      %dma_start3A_44 = tpu.memref_squeeze %dma_start3A_43 : memref<1x2x128xi32, #tpu.memory_space<hbm>> -> memref<2x128xi32, #tpu.memory_space<hbm>>
      %dma_start3A_45 = arith.constant 0 : i32
      %dma_start3A_46 = arith.constant 0 : i32
      %dma_start3A_47 = tpu.memref_slice %arg3[%add3A, %dma_start3A_45, %dma_start3A_46] : memref<32x2x128xi32, #tpu.memory_space<hbm>> -> memref<1x2x128xi32, #tpu.memory_space<hbm>>
      %dma_start3A_48 = tpu.memref_squeeze %dma_start3A_47 : memref<1x2x128xi32, #tpu.memory_space<hbm>> -> memref<2x128xi32, #tpu.memory_space<hbm>>
      tpu.enqueue_dma source(%dma_start3A_48 : memref<2x128xi32, #tpu.memory_space<hbm>>) target(%arg5 : memref<2x128xi32, #tpu.memory_space<vmem>>) target_semaphore(%run_scoped3A : memref<!tpu.dma_semaphore, #tpu.memory_space<semaphore_mem>>)
      %dma_wait3A_49 = arith.constant 0 : i32
      %dma_wait3A_50 = arith.constant 0 : i32
      %dma_wait3A_51 = tpu.memref_slice %arg3[%add3A, %dma_wait3A_49, %dma_wait3A_50] : memref<32x2x128xi32, #tpu.memory_space<hbm>> -> memref<1x2x128xi32, #tpu.memory_space<hbm>>
      %dma_wait3A_52 = tpu.memref_squeeze %dma_wait3A_51 : memref<1x2x128xi32, #tpu.memory_space<hbm>> -> memref<2x128xi32, #tpu.memory_space<hbm>>
      %dma_wait3A_53 = arith.constant 0 : i32
      %dma_wait3A_54 = arith.constant 0 : i32
      %dma_wait3A_55 = tpu.memref_slice %arg3[%add3A, %dma_wait3A_53, %dma_wait3A_54] : memref<32x2x128xi32, #tpu.memory_space<hbm>> -> memref<1x2x128xi32, #tpu.memory_space<hbm>>
      %dma_wait3A_56 = tpu.memref_squeeze %dma_wait3A_55 : memref<1x2x128xi32, #tpu.memory_space<hbm>> -> memref<2x128xi32, #tpu.memory_space<hbm>>
      tpu.wait_dma2 semaphore(%run_scoped3A : memref<!tpu.dma_semaphore, #tpu.memory_space<semaphore_mem>>) src(%dma_wait3A_56 : memref<2x128xi32, #tpu.memory_space<hbm>>) dst(%arg5 : memref<2x128xi32, #tpu.memory_space<vmem>>)
      tpu.yield
    }) : () -> ()
    %dma_start3A = arith.constant 0 : i32
    %dma_start3A_3 = arith.constant 0 : i32
    %dma_start3A_4 = arith.constant 0 : i32
    %dma_start3A_5 = tpu.memref_slice %arg6[%dma_start3A_3, %dma_start3A_4] : memref<256x256xf32, #tpu.memory_space<vmem>> -> memref<128x256xf32, #tpu.memory_space<vmem>>
    %dma_start3A_6 = arith.constant 0 : i32
    %dma_start3A_7 = tpu.memref_slice %arg5[%dma_start3A, %dma_start3A_6] : memref<2x128xi32, #tpu.memory_space<vmem>> -> memref<1x128xi32, #tpu.memory_space<vmem>>
    %dma_start3A_8 = tpu.memref_squeeze %dma_start3A_7 : memref<1x128xi32, #tpu.memory_space<vmem>> -> memref<128xi32, #tpu.memory_space<vmem>>
    %dma_start3A_9 = arith.constant 0 : i32
    %dma_start3A_10 = arith.constant 0 : i32
    %dma_start3A_11 = tpu.memref_slice %arg2[%dma_start3A_9, %dma_start3A_10] : memref<8192x256xf32, #tpu.memory_space<hbm>> -> memref<8192x256xf32, #tpu.memory_space<hbm>>
    tpu.enqueue_indirect_dma source(%dma_start3A_11 : memref<8192x256xf32, #tpu.memory_space<hbm>>) target(%dma_start3A_5 : memref<128x256xf32, #tpu.memory_space<vmem>>) offsets(%dma_start3A_8 : memref<128xi32, #tpu.memory_space<vmem>>) semaphore(%arg7 : memref<!tpu.dma_semaphore, #tpu.memory_space<semaphore_mem>>)
    %dma_start3A_12 = arith.constant 1 : i32
    %dma_start3A_13 = arith.constant 128 : i32
    %dma_start3A_14 = arith.constant 0 : i32
    %dma_start3A_15 = tpu.memref_slice %arg6[%dma_start3A_13, %dma_start3A_14] : memref<256x256xf32, #tpu.memory_space<vmem>> -> memref<128x256xf32, #tpu.memory_space<vmem>>
    %dma_start3A_16 = arith.constant 0 : i32
    %dma_start3A_17 = tpu.memref_slice %arg5[%dma_start3A_12, %dma_start3A_16] : memref<2x128xi32, #tpu.memory_space<vmem>> -> memref<1x128xi32, #tpu.memory_space<vmem>>
    %dma_start3A_18 = tpu.memref_squeeze %dma_start3A_17 : memref<1x128xi32, #tpu.memory_space<vmem>> -> memref<128xi32, #tpu.memory_space<vmem>>
    %dma_start3A_19 = arith.constant 0 : i32
    %dma_start3A_20 = arith.constant 0 : i32
    %dma_start3A_21 = tpu.memref_slice %arg2[%dma_start3A_19, %dma_start3A_20] : memref<8192x256xf32, #tpu.memory_space<hbm>> -> memref<8192x256xf32, #tpu.memory_space<hbm>>
    tpu.enqueue_indirect_dma source(%dma_start3A_21 : memref<8192x256xf32, #tpu.memory_space<hbm>>) target(%dma_start3A_15 : memref<128x256xf32, #tpu.memory_space<vmem>>) offsets(%dma_start3A_18 : memref<128xi32, #tpu.memory_space<vmem>>) semaphore(%arg7 : memref<!tpu.dma_semaphore, #tpu.memory_space<semaphore_mem>>)
    %dma_wait3A = arith.constant 0 : i32
    %dma_wait3A_22 = arith.constant 0 : i32
    %dma_wait3A_23 = arith.constant 0 : i32
    %dma_wait3A_24 = tpu.memref_slice %arg6[%dma_wait3A_22, %dma_wait3A_23] : memref<256x256xf32, #tpu.memory_space<vmem>> -> memref<128x256xf32, #tpu.memory_space<vmem>>
    %dma_wait3A_25 = arith.constant 0 : i32
    %dma_wait3A_26 = tpu.memref_slice %arg5[%dma_wait3A, %dma_wait3A_25] : memref<2x128xi32, #tpu.memory_space<vmem>> -> memref<1x128xi32, #tpu.memory_space<vmem>>
    %dma_wait3A_27 = tpu.memref_squeeze %dma_wait3A_26 : memref<1x128xi32, #tpu.memory_space<vmem>> -> memref<128xi32, #tpu.memory_space<vmem>>
    %dma_wait3A_28 = arith.constant 0 : i32
    %dma_wait3A_29 = arith.constant 0 : i32
    %dma_wait3A_30 = tpu.memref_slice %arg2[%dma_wait3A_28, %dma_wait3A_29] : memref<8192x256xf32, #tpu.memory_space<hbm>> -> memref<8192x256xf32, #tpu.memory_space<hbm>>
    tpu.wait_indirect_dma semaphore(%arg7 : memref<!tpu.dma_semaphore, #tpu.memory_space<semaphore_mem>>) src(%dma_wait3A_30 : memref<8192x256xf32, #tpu.memory_space<hbm>>) dst(%dma_wait3A_24 : memref<128x256xf32, #tpu.memory_space<vmem>>)
    %dma_wait3A_31 = arith.constant 1 : i32
    %dma_wait3A_32 = arith.constant 128 : i32
    %dma_wait3A_33 = arith.constant 0 : i32
    %dma_wait3A_34 = tpu.memref_slice %arg6[%dma_wait3A_32, %dma_wait3A_33] : memref<256x256xf32, #tpu.memory_space<vmem>> -> memref<128x256xf32, #tpu.memory_space<vmem>>
    %dma_wait3A_35 = arith.constant 0 : i32
    %dma_wait3A_36 = tpu.memref_slice %arg5[%dma_wait3A_31, %dma_wait3A_35] : memref<2x128xi32, #tpu.memory_space<vmem>> -> memref<1x128xi32, #tpu.memory_space<vmem>>
    %dma_wait3A_37 = tpu.memref_squeeze %dma_wait3A_36 : memref<1x128xi32, #tpu.memory_space<vmem>> -> memref<128xi32, #tpu.memory_space<vmem>>
    %dma_wait3A_38 = arith.constant 0 : i32
    %dma_wait3A_39 = arith.constant 0 : i32
    %dma_wait3A_40 = tpu.memref_slice %arg2[%dma_wait3A_38, %dma_wait3A_39] : memref<8192x256xf32, #tpu.memory_space<hbm>> -> memref<8192x256xf32, #tpu.memory_space<hbm>>
    tpu.wait_indirect_dma semaphore(%arg7 : memref<!tpu.dma_semaphore, #tpu.memory_space<semaphore_mem>>) src(%dma_wait3A_40 : memref<8192x256xf32, #tpu.memory_space<hbm>>) dst(%dma_wait3A_34 : memref<128x256xf32, #tpu.memory_space<vmem>>)
    "tpu.region"() ({
      %run_scoped3A = tpu.sem_alloc : memref<!tpu.dma_semaphore, #tpu.memory_space<semaphore_mem>>
      %dma_start3A_41 = arith.constant 0 : i32
      %dma_start3A_42 = tpu.memref_slice %arg4[%mul3A_2, %dma_start3A_41] : memref<8192x256xf32, #tpu.memory_space<hbm>> -> memref<256x256xf32, #tpu.memory_space<hbm>>
      %dma_start3A_43 = arith.constant 0 : i32
      %dma_start3A_44 = tpu.memref_slice %arg4[%mul3A_2, %dma_start3A_43] : memref<8192x256xf32, #tpu.memory_space<hbm>> -> memref<256x256xf32, #tpu.memory_space<hbm>>
      tpu.enqueue_dma source(%arg6 : memref<256x256xf32, #tpu.memory_space<vmem>>) target(%dma_start3A_44 : memref<256x256xf32, #tpu.memory_space<hbm>>) target_semaphore(%run_scoped3A : memref<!tpu.dma_semaphore, #tpu.memory_space<semaphore_mem>>)
      %dma_wait3A_45 = arith.constant 0 : i32
      %dma_wait3A_46 = tpu.memref_slice %arg4[%mul3A_2, %dma_wait3A_45] : memref<8192x256xf32, #tpu.memory_space<hbm>> -> memref<256x256xf32, #tpu.memory_space<hbm>>
      %dma_wait3A_47 = arith.constant 0 : i32
      %dma_wait3A_48 = tpu.memref_slice %arg4[%mul3A_2, %dma_wait3A_47] : memref<8192x256xf32, #tpu.memory_space<hbm>> -> memref<256x256xf32, #tpu.memory_space<hbm>>
      tpu.wait_dma2 semaphore(%run_scoped3A : memref<!tpu.dma_semaphore, #tpu.memory_space<semaphore_mem>>) src(%arg6 : memref<256x256xf32, #tpu.memory_space<vmem>>) dst(%dma_wait3A_48 : memref<256x256xf32, #tpu.memory_space<hbm>>)
      tpu.yield
    }) : () -> ()
    return
  }
}

module attributes {stable_mosaic.version = 14 : i64} {
  func.func @_argmin_body(%arg0: i32, %arg1: memref<256x256xf32, #tpu.memory_space<vmem>>, %arg2: memref<8192x256xf32, #tpu.memory_space<vmem>>, %arg3: memref<256x1xf32, #tpu.memory_space<vmem>>, %arg4: memref<1x8192xf32, #tpu.memory_space<vmem>>, %arg5: memref<1x1x256xi32, #tpu.memory_space<vmem>>, %arg6: memref<1xf32, #tpu.memory_space<smem>>, %arg7: memref<1xf32, #tpu.memory_space<smem>>) attributes {dimension_semantics = [#tpu.dimension_semantics<arbitrary>], iteration_bounds = array<i64: 32>, scalar_prefetch = 0 : i64, scratch_operands = 1 : i64, tpu.core_type = #tpu.core_type<tc>, window_params = [{transform_indices = @transform_0, window_bounds = array<i64: 256, 256>}, {pipeline_mode = #tpu.pipeline_mode<synchronous>, transform_indices = @transform_1, window_bounds = array<i64: 8192, 256>}, {transform_indices = @transform_2, window_bounds = array<i64: 256, 1>}, {pipeline_mode = #tpu.pipeline_mode<synchronous>, transform_indices = @transform_3, window_bounds = array<i64: 1, 8192>}, {transform_indices = @transform_4, window_bounds = array<i64: 1, 1, 256>}, {transform_indices = @transform_5, window_bounds = array<i64: 1>}]} {
    %get3A = arith.constant 0 : index
    %get3A_0 = arith.constant 0 : index
    %get3A_1 = vector.load %arg1[%get3A, %get3A_0] : memref<256x256xf32, #tpu.memory_space<vmem>>, vector<256x256xf32>
    %mul3A = arith.constant 2.000000e+00 : f32
    %mul3A_2 = vector.broadcast %mul3A : f32 to vector<256x256xf32>
    %mul3A_3 = arith.mulf %get3A_1, %mul3A_2 : vector<256x256xf32>
    %get3A_4 = arith.constant 0 : index
    %get3A_5 = arith.constant 0 : index
    %get3A_6 = vector.load %arg3[%get3A_4, %get3A_5] : memref<256x1xf32, #tpu.memory_space<vmem>>, vector<256x1xf32>
    %get3A_7 = arith.constant 0 : index
    %get3A_8 = arith.constant 0 : index
    %get3A_9 = vector.load %arg2[%get3A_7, %get3A_8] : memref<8192x256xf32, #tpu.memory_space<vmem>>, vector<256x256xf32>
    %dot_general3A = arith.constant dense<0.000000e+00> : vector<256x256xf32>
    %dot_general3A_10 = tpu.matmul %mul3A_3, %get3A_9, %dot_general3A {dimension_numbers = #tpu.dot_dimension_numbers<[1], [1], [0], [0], [0, 0, 1, 0], [], []>, transpose_lhs_hint = false} : vector<256x256xf32>, vector<256x256xf32>, vector<256x256xf32> -> vector<256x256xf32>
    %get3A_11 = arith.constant 0 : index
    %get3A_12 = arith.constant 0 : index
    %get3A_13 = vector.load %arg4[%get3A_11, %get3A_12] : memref<1x8192xf32, #tpu.memory_space<vmem>>, vector<1x256xf32>
    %add3A = vector.broadcast %get3A_6 : vector<256x1xf32> to vector<256x256xf32>
    %add3A_14 = vector.broadcast %get3A_13 : vector<1x256xf32> to vector<256x256xf32>
    %add3A_15 = arith.addf %add3A, %add3A_14 : vector<256x256xf32>
    %sub3A = arith.subf %add3A_15, %dot_general3A_10 : vector<256x256xf32>
    %slice3A = vector.extract_strided_slice %sub3A {offsets = [0, 0], sizes = [256, 128], strides = [1, 1]} : vector<256x256xf32> to vector<256x128xf32>
    %slice3A_16 = vector.extract_strided_slice %sub3A {offsets = [0, 128], sizes = [256, 128], strides = [1, 1]} : vector<256x256xf32> to vector<256x128xf32>
    %lt3A = arith.cmpf olt, %slice3A_16, %slice3A : vector<256x128xf32>
    %select_n3A = arith.select %lt3A, %slice3A_16, %slice3A : vector<256x128xi1>, vector<256x128xf32>
    %jit3A = arith.constant 1.000000e+00 : f32
    %jit3A_17 = arith.constant 0.000000e+00 : f32
    %broadcast_in_dim3A = vector.broadcast %jit3A : f32 to vector<256x128xf32>
    %broadcast_in_dim3A_18 = vector.broadcast %jit3A_17 : f32 to vector<256x128xf32>
    %select_n3A_19 = arith.select %lt3A, %broadcast_in_dim3A, %broadcast_in_dim3A_18 : vector<256x128xi1>, vector<256x128xf32>
    %get3A_20 = arith.constant 256 : index
    %get3A_21 = arith.constant 0 : index
    %get3A_22 = vector.load %arg2[%get3A_20, %get3A_21] : memref<8192x256xf32, #tpu.memory_space<vmem>>, vector<256x256xf32>
    %dot_general3A_23 = arith.constant dense<0.000000e+00> : vector<256x256xf32>
    %dot_general3A_24 = tpu.matmul %mul3A_3, %get3A_22, %dot_general3A_23 {dimension_numbers = #tpu.dot_dimension_numbers<[1], [1], [0], [0], [0, 0, 1, 0], [], []>, transpose_lhs_hint = false} : vector<256x256xf32>, vector<256x256xf32>, vector<256x256xf32> -> vector<256x256xf32>
    %get3A_25 = arith.constant 0 : index
    %get3A_26 = arith.constant 256 : index
    %get3A_27 = vector.load %arg4[%get3A_25, %get3A_26] : memref<1x8192xf32, #tpu.memory_space<vmem>>, vector<1x256xf32>
    %add3A_28 = vector.broadcast %get3A_6 : vector<256x1xf32> to vector<256x256xf32>
    %add3A_29 = vector.broadcast %get3A_27 : vector<1x256xf32> to vector<256x256xf32>
    %add3A_30 = arith.addf %add3A_28, %add3A_29 : vector<256x256xf32>
    %sub3A_31 = arith.subf %add3A_30, %dot_general3A_24 : vector<256x256xf32>
    %slice3A_32 = vector.extract_strided_slice %sub3A_31 {offsets = [0, 0], sizes = [256, 128], strides = [1, 1]} : vector<256x256xf32> to vector<256x128xf32>
    %slice3A_33 = vector.extract_strided_slice %sub3A_31 {offsets = [0, 128], sizes = [256, 128], strides = [1, 1]} : vector<256x256xf32> to vector<256x128xf32>
    %lt3A_34 = arith.cmpf olt, %slice3A_32, %select_n3A : vector<256x128xf32>
    %jit3A_35 = arith.constant 2.000000e+00 : f32
    %broadcast_in_dim3A_36 = vector.broadcast %jit3A_35 : f32 to vector<256x128xf32>
    %select_n3A_37 = arith.select %lt3A_34, %broadcast_in_dim3A_36, %select_n3A_19 : vector<256x128xi1>, vector<256x128xf32>
    %select_n3A_38 = arith.select %lt3A_34, %slice3A_32, %select_n3A : vector<256x128xi1>, vector<256x128xf32>
    %lt3A_39 = arith.cmpf olt, %slice3A_33, %select_n3A_38 : vector<256x128xf32>
    %jit3A_40 = arith.constant 3.000000e+00 : f32
    %broadcast_in_dim3A_41 = vector.broadcast %jit3A_40 : f32 to vector<256x128xf32>
    %select_n3A_42 = arith.select %lt3A_39, %broadcast_in_dim3A_41, %select_n3A_37 : vector<256x128xi1>, vector<256x128xf32>
    %select_n3A_43 = arith.select %lt3A_39, %slice3A_33, %select_n3A_38 : vector<256x128xi1>, vector<256x128xf32>
    %get3A_44 = arith.constant 512 : index
    %get3A_45 = arith.constant 0 : index
    %get3A_46 = vector.load %arg2[%get3A_44, %get3A_45] : memref<8192x256xf32, #tpu.memory_space<vmem>>, vector<256x256xf32>
    %dot_general3A_47 = arith.constant dense<0.000000e+00> : vector<256x256xf32>
    %dot_general3A_48 = tpu.matmul %mul3A_3, %get3A_46, %dot_general3A_47 {dimension_numbers = #tpu.dot_dimension_numbers<[1], [1], [0], [0], [0, 0, 1, 0], [], []>, transpose_lhs_hint = false} : vector<256x256xf32>, vector<256x256xf32>, vector<256x256xf32> -> vector<256x256xf32>
    %get3A_49 = arith.constant 0 : index
    %get3A_50 = arith.constant 512 : index
    %get3A_51 = vector.load %arg4[%get3A_49, %get3A_50] : memref<1x8192xf32, #tpu.memory_space<vmem>>, vector<1x256xf32>
    %add3A_52 = vector.broadcast %get3A_6 : vector<256x1xf32> to vector<256x256xf32>
    %add3A_53 = vector.broadcast %get3A_51 : vector<1x256xf32> to vector<256x256xf32>
    %add3A_54 = arith.addf %add3A_52, %add3A_53 : vector<256x256xf32>
    %sub3A_55 = arith.subf %add3A_54, %dot_general3A_48 : vector<256x256xf32>
    %slice3A_56 = vector.extract_strided_slice %sub3A_55 {offsets = [0, 0], sizes = [256, 128], strides = [1, 1]} : vector<256x256xf32> to vector<256x128xf32>
    %slice3A_57 = vector.extract_strided_slice %sub3A_55 {offsets = [0, 128], sizes = [256, 128], strides = [1, 1]} : vector<256x256xf32> to vector<256x128xf32>
    %lt3A_58 = arith.cmpf olt, %slice3A_56, %select_n3A_43 : vector<256x128xf32>
    %jit3A_59 = arith.constant 4.000000e+00 : f32
    %broadcast_in_dim3A_60 = vector.broadcast %jit3A_59 : f32 to vector<256x128xf32>
    %select_n3A_61 = arith.select %lt3A_58, %broadcast_in_dim3A_60, %select_n3A_42 : vector<256x128xi1>, vector<256x128xf32>
    %select_n3A_62 = arith.select %lt3A_58, %slice3A_56, %select_n3A_43 : vector<256x128xi1>, vector<256x128xf32>
    %lt3A_63 = arith.cmpf olt, %slice3A_57, %select_n3A_62 : vector<256x128xf32>
    %jit3A_64 = arith.constant 5.000000e+00 : f32
    %broadcast_in_dim3A_65 = vector.broadcast %jit3A_64 : f32 to vector<256x128xf32>
    %select_n3A_66 = arith.select %lt3A_63, %broadcast_in_dim3A_65, %select_n3A_61 : vector<256x128xi1>, vector<256x128xf32>
    %select_n3A_67 = arith.select %lt3A_63, %slice3A_57, %select_n3A_62 : vector<256x128xi1>, vector<256x128xf32>
    %get3A_68 = arith.constant 768 : index
    %get3A_69 = arith.constant 0 : index
    %get3A_70 = vector.load %arg2[%get3A_68, %get3A_69] : memref<8192x256xf32, #tpu.memory_space<vmem>>, vector<256x256xf32>
    %dot_general3A_71 = arith.constant dense<0.000000e+00> : vector<256x256xf32>
    %dot_general3A_72 = tpu.matmul %mul3A_3, %get3A_70, %dot_general3A_71 {dimension_numbers = #tpu.dot_dimension_numbers<[1], [1], [0], [0], [0, 0, 1, 0], [], []>, transpose_lhs_hint = false} : vector<256x256xf32>, vector<256x256xf32>, vector<256x256xf32> -> vector<256x256xf32>
    %get3A_73 = arith.constant 0 : index
    %get3A_74 = arith.constant 768 : index
    %get3A_75 = vector.load %arg4[%get3A_73, %get3A_74] : memref<1x8192xf32, #tpu.memory_space<vmem>>, vector<1x256xf32>
    %add3A_76 = vector.broadcast %get3A_6 : vector<256x1xf32> to vector<256x256xf32>
    %add3A_77 = vector.broadcast %get3A_75 : vector<1x256xf32> to vector<256x256xf32>
    %add3A_78 = arith.addf %add3A_76, %add3A_77 : vector<256x256xf32>
    %sub3A_79 = arith.subf %add3A_78, %dot_general3A_72 : vector<256x256xf32>
    %slice3A_80 = vector.extract_strided_slice %sub3A_79 {offsets = [0, 0], sizes = [256, 128], strides = [1, 1]} : vector<256x256xf32> to vector<256x128xf32>
    %slice3A_81 = vector.extract_strided_slice %sub3A_79 {offsets = [0, 128], sizes = [256, 128], strides = [1, 1]} : vector<256x256xf32> to vector<256x128xf32>
    %lt3A_82 = arith.cmpf olt, %slice3A_80, %select_n3A_67 : vector<256x128xf32>
    %jit3A_83 = arith.constant 6.000000e+00 : f32
    %broadcast_in_dim3A_84 = vector.broadcast %jit3A_83 : f32 to vector<256x128xf32>
    %select_n3A_85 = arith.select %lt3A_82, %broadcast_in_dim3A_84, %select_n3A_66 : vector<256x128xi1>, vector<256x128xf32>
    %select_n3A_86 = arith.select %lt3A_82, %slice3A_80, %select_n3A_67 : vector<256x128xi1>, vector<256x128xf32>
    %lt3A_87 = arith.cmpf olt, %slice3A_81, %select_n3A_86 : vector<256x128xf32>
    %jit3A_88 = arith.constant 7.000000e+00 : f32
    %broadcast_in_dim3A_89 = vector.broadcast %jit3A_88 : f32 to vector<256x128xf32>
    %select_n3A_90 = arith.select %lt3A_87, %broadcast_in_dim3A_89, %select_n3A_85 : vector<256x128xi1>, vector<256x128xf32>
    %select_n3A_91 = arith.select %lt3A_87, %slice3A_81, %select_n3A_86 : vector<256x128xi1>, vector<256x128xf32>
    %get3A_92 = arith.constant 1024 : index
    %get3A_93 = arith.constant 0 : index
    %get3A_94 = vector.load %arg2[%get3A_92, %get3A_93] : memref<8192x256xf32, #tpu.memory_space<vmem>>, vector<256x256xf32>
    %dot_general3A_95 = arith.constant dense<0.000000e+00> : vector<256x256xf32>
    %dot_general3A_96 = tpu.matmul %mul3A_3, %get3A_94, %dot_general3A_95 {dimension_numbers = #tpu.dot_dimension_numbers<[1], [1], [0], [0], [0, 0, 1, 0], [], []>, transpose_lhs_hint = false} : vector<256x256xf32>, vector<256x256xf32>, vector<256x256xf32> -> vector<256x256xf32>
    %get3A_97 = arith.constant 0 : index
    %get3A_98 = arith.constant 1024 : index
    %get3A_99 = vector.load %arg4[%get3A_97, %get3A_98] : memref<1x8192xf32, #tpu.memory_space<vmem>>, vector<1x256xf32>
    %add3A_100 = vector.broadcast %get3A_6 : vector<256x1xf32> to vector<256x256xf32>
    %add3A_101 = vector.broadcast %get3A_99 : vector<1x256xf32> to vector<256x256xf32>
    %add3A_102 = arith.addf %add3A_100, %add3A_101 : vector<256x256xf32>
    %sub3A_103 = arith.subf %add3A_102, %dot_general3A_96 : vector<256x256xf32>
    %slice3A_104 = vector.extract_strided_slice %sub3A_103 {offsets = [0, 0], sizes = [256, 128], strides = [1, 1]} : vector<256x256xf32> to vector<256x128xf32>
    %slice3A_105 = vector.extract_strided_slice %sub3A_103 {offsets = [0, 128], sizes = [256, 128], strides = [1, 1]} : vector<256x256xf32> to vector<256x128xf32>
    %lt3A_106 = arith.cmpf olt, %slice3A_104, %select_n3A_91 : vector<256x128xf32>
    %jit3A_107 = arith.constant 8.000000e+00 : f32
    %broadcast_in_dim3A_108 = vector.broadcast %jit3A_107 : f32 to vector<256x128xf32>
    %select_n3A_109 = arith.select %lt3A_106, %broadcast_in_dim3A_108, %select_n3A_90 : vector<256x128xi1>, vector<256x128xf32>
    %select_n3A_110 = arith.select %lt3A_106, %slice3A_104, %select_n3A_91 : vector<256x128xi1>, vector<256x128xf32>
    %lt3A_111 = arith.cmpf olt, %slice3A_105, %select_n3A_110 : vector<256x128xf32>
    %jit3A_112 = arith.constant 9.000000e+00 : f32
    %broadcast_in_dim3A_113 = vector.broadcast %jit3A_112 : f32 to vector<256x128xf32>
    %select_n3A_114 = arith.select %lt3A_111, %broadcast_in_dim3A_113, %select_n3A_109 : vector<256x128xi1>, vector<256x128xf32>
    %select_n3A_115 = arith.select %lt3A_111, %slice3A_105, %select_n3A_110 : vector<256x128xi1>, vector<256x128xf32>
    %get3A_116 = arith.constant 1280 : index
    %get3A_117 = arith.constant 0 : index
    %get3A_118 = vector.load %arg2[%get3A_116, %get3A_117] : memref<8192x256xf32, #tpu.memory_space<vmem>>, vector<256x256xf32>
    %dot_general3A_119 = arith.constant dense<0.000000e+00> : vector<256x256xf32>
    %dot_general3A_120 = tpu.matmul %mul3A_3, %get3A_118, %dot_general3A_119 {dimension_numbers = #tpu.dot_dimension_numbers<[1], [1], [0], [0], [0, 0, 1, 0], [], []>, transpose_lhs_hint = false} : vector<256x256xf32>, vector<256x256xf32>, vector<256x256xf32> -> vector<256x256xf32>
    %get3A_121 = arith.constant 0 : index
    %get3A_122 = arith.constant 1280 : index
    %get3A_123 = vector.load %arg4[%get3A_121, %get3A_122] : memref<1x8192xf32, #tpu.memory_space<vmem>>, vector<1x256xf32>
    %add3A_124 = vector.broadcast %get3A_6 : vector<256x1xf32> to vector<256x256xf32>
    %add3A_125 = vector.broadcast %get3A_123 : vector<1x256xf32> to vector<256x256xf32>
    %add3A_126 = arith.addf %add3A_124, %add3A_125 : vector<256x256xf32>
    %sub3A_127 = arith.subf %add3A_126, %dot_general3A_120 : vector<256x256xf32>
    %slice3A_128 = vector.extract_strided_slice %sub3A_127 {offsets = [0, 0], sizes = [256, 128], strides = [1, 1]} : vector<256x256xf32> to vector<256x128xf32>
    %slice3A_129 = vector.extract_strided_slice %sub3A_127 {offsets = [0, 128], sizes = [256, 128], strides = [1, 1]} : vector<256x256xf32> to vector<256x128xf32>
    %lt3A_130 = arith.cmpf olt, %slice3A_128, %select_n3A_115 : vector<256x128xf32>
    %jit3A_131 = arith.constant 1.000000e+01 : f32
    %broadcast_in_dim3A_132 = vector.broadcast %jit3A_131 : f32 to vector<256x128xf32>
    %select_n3A_133 = arith.select %lt3A_130, %broadcast_in_dim3A_132, %select_n3A_114 : vector<256x128xi1>, vector<256x128xf32>
    %select_n3A_134 = arith.select %lt3A_130, %slice3A_128, %select_n3A_115 : vector<256x128xi1>, vector<256x128xf32>
    %lt3A_135 = arith.cmpf olt, %slice3A_129, %select_n3A_134 : vector<256x128xf32>
    %jit3A_136 = arith.constant 1.100000e+01 : f32
    %broadcast_in_dim3A_137 = vector.broadcast %jit3A_136 : f32 to vector<256x128xf32>
    %select_n3A_138 = arith.select %lt3A_135, %broadcast_in_dim3A_137, %select_n3A_133 : vector<256x128xi1>, vector<256x128xf32>
    %select_n3A_139 = arith.select %lt3A_135, %slice3A_129, %select_n3A_134 : vector<256x128xi1>, vector<256x128xf32>
    %get3A_140 = arith.constant 1536 : index
    %get3A_141 = arith.constant 0 : index
    %get3A_142 = vector.load %arg2[%get3A_140, %get3A_141] : memref<8192x256xf32, #tpu.memory_space<vmem>>, vector<256x256xf32>
    %dot_general3A_143 = arith.constant dense<0.000000e+00> : vector<256x256xf32>
    %dot_general3A_144 = tpu.matmul %mul3A_3, %get3A_142, %dot_general3A_143 {dimension_numbers = #tpu.dot_dimension_numbers<[1], [1], [0], [0], [0, 0, 1, 0], [], []>, transpose_lhs_hint = false} : vector<256x256xf32>, vector<256x256xf32>, vector<256x256xf32> -> vector<256x256xf32>
    %get3A_145 = arith.constant 0 : index
    %get3A_146 = arith.constant 1536 : index
    %get3A_147 = vector.load %arg4[%get3A_145, %get3A_146] : memref<1x8192xf32, #tpu.memory_space<vmem>>, vector<1x256xf32>
    %add3A_148 = vector.broadcast %get3A_6 : vector<256x1xf32> to vector<256x256xf32>
    %add3A_149 = vector.broadcast %get3A_147 : vector<1x256xf32> to vector<256x256xf32>
    %add3A_150 = arith.addf %add3A_148, %add3A_149 : vector<256x256xf32>
    %sub3A_151 = arith.subf %add3A_150, %dot_general3A_144 : vector<256x256xf32>
    %slice3A_152 = vector.extract_strided_slice %sub3A_151 {offsets = [0, 0], sizes = [256, 128], strides = [1, 1]} : vector<256x256xf32> to vector<256x128xf32>
    %slice3A_153 = vector.extract_strided_slice %sub3A_151 {offsets = [0, 128], sizes = [256, 128], strides = [1, 1]} : vector<256x256xf32> to vector<256x128xf32>
    %lt3A_154 = arith.cmpf olt, %slice3A_152, %select_n3A_139 : vector<256x128xf32>
    %jit3A_155 = arith.constant 1.200000e+01 : f32
    %broadcast_in_dim3A_156 = vector.broadcast %jit3A_155 : f32 to vector<256x128xf32>
    %select_n3A_157 = arith.select %lt3A_154, %broadcast_in_dim3A_156, %select_n3A_138 : vector<256x128xi1>, vector<256x128xf32>
    %select_n3A_158 = arith.select %lt3A_154, %slice3A_152, %select_n3A_139 : vector<256x128xi1>, vector<256x128xf32>
    %lt3A_159 = arith.cmpf olt, %slice3A_153, %select_n3A_158 : vector<256x128xf32>
    %jit3A_160 = arith.constant 1.300000e+01 : f32
    %broadcast_in_dim3A_161 = vector.broadcast %jit3A_160 : f32 to vector<256x128xf32>
    %select_n3A_162 = arith.select %lt3A_159, %broadcast_in_dim3A_161, %select_n3A_157 : vector<256x128xi1>, vector<256x128xf32>
    %select_n3A_163 = arith.select %lt3A_159, %slice3A_153, %select_n3A_158 : vector<256x128xi1>, vector<256x128xf32>
    %get3A_164 = arith.constant 1792 : index
    %get3A_165 = arith.constant 0 : index
    %get3A_166 = vector.load %arg2[%get3A_164, %get3A_165] : memref<8192x256xf32, #tpu.memory_space<vmem>>, vector<256x256xf32>
    %dot_general3A_167 = arith.constant dense<0.000000e+00> : vector<256x256xf32>
    %dot_general3A_168 = tpu.matmul %mul3A_3, %get3A_166, %dot_general3A_167 {dimension_numbers = #tpu.dot_dimension_numbers<[1], [1], [0], [0], [0, 0, 1, 0], [], []>, transpose_lhs_hint = false} : vector<256x256xf32>, vector<256x256xf32>, vector<256x256xf32> -> vector<256x256xf32>
    %get3A_169 = arith.constant 0 : index
    %get3A_170 = arith.constant 1792 : index
    %get3A_171 = vector.load %arg4[%get3A_169, %get3A_170] : memref<1x8192xf32, #tpu.memory_space<vmem>>, vector<1x256xf32>
    %add3A_172 = vector.broadcast %get3A_6 : vector<256x1xf32> to vector<256x256xf32>
    %add3A_173 = vector.broadcast %get3A_171 : vector<1x256xf32> to vector<256x256xf32>
    %add3A_174 = arith.addf %add3A_172, %add3A_173 : vector<256x256xf32>
    %sub3A_175 = arith.subf %add3A_174, %dot_general3A_168 : vector<256x256xf32>
    %slice3A_176 = vector.extract_strided_slice %sub3A_175 {offsets = [0, 0], sizes = [256, 128], strides = [1, 1]} : vector<256x256xf32> to vector<256x128xf32>
    %slice3A_177 = vector.extract_strided_slice %sub3A_175 {offsets = [0, 128], sizes = [256, 128], strides = [1, 1]} : vector<256x256xf32> to vector<256x128xf32>
    %lt3A_178 = arith.cmpf olt, %slice3A_176, %select_n3A_163 : vector<256x128xf32>
    %jit3A_179 = arith.constant 1.400000e+01 : f32
    %broadcast_in_dim3A_180 = vector.broadcast %jit3A_179 : f32 to vector<256x128xf32>
    %select_n3A_181 = arith.select %lt3A_178, %broadcast_in_dim3A_180, %select_n3A_162 : vector<256x128xi1>, vector<256x128xf32>
    %select_n3A_182 = arith.select %lt3A_178, %slice3A_176, %select_n3A_163 : vector<256x128xi1>, vector<256x128xf32>
    %lt3A_183 = arith.cmpf olt, %slice3A_177, %select_n3A_182 : vector<256x128xf32>
    %jit3A_184 = arith.constant 1.500000e+01 : f32
    %broadcast_in_dim3A_185 = vector.broadcast %jit3A_184 : f32 to vector<256x128xf32>
    %select_n3A_186 = arith.select %lt3A_183, %broadcast_in_dim3A_185, %select_n3A_181 : vector<256x128xi1>, vector<256x128xf32>
    %select_n3A_187 = arith.select %lt3A_183, %slice3A_177, %select_n3A_182 : vector<256x128xi1>, vector<256x128xf32>
    %get3A_188 = arith.constant 2048 : index
    %get3A_189 = arith.constant 0 : index
    %get3A_190 = vector.load %arg2[%get3A_188, %get3A_189] : memref<8192x256xf32, #tpu.memory_space<vmem>>, vector<256x256xf32>
    %dot_general3A_191 = arith.constant dense<0.000000e+00> : vector<256x256xf32>
    %dot_general3A_192 = tpu.matmul %mul3A_3, %get3A_190, %dot_general3A_191 {dimension_numbers = #tpu.dot_dimension_numbers<[1], [1], [0], [0], [0, 0, 1, 0], [], []>, transpose_lhs_hint = false} : vector<256x256xf32>, vector<256x256xf32>, vector<256x256xf32> -> vector<256x256xf32>
    %get3A_193 = arith.constant 0 : index
    %get3A_194 = arith.constant 2048 : index
    %get3A_195 = vector.load %arg4[%get3A_193, %get3A_194] : memref<1x8192xf32, #tpu.memory_space<vmem>>, vector<1x256xf32>
    %add3A_196 = vector.broadcast %get3A_6 : vector<256x1xf32> to vector<256x256xf32>
    %add3A_197 = vector.broadcast %get3A_195 : vector<1x256xf32> to vector<256x256xf32>
    %add3A_198 = arith.addf %add3A_196, %add3A_197 : vector<256x256xf32>
    %sub3A_199 = arith.subf %add3A_198, %dot_general3A_192 : vector<256x256xf32>
    %slice3A_200 = vector.extract_strided_slice %sub3A_199 {offsets = [0, 0], sizes = [256, 128], strides = [1, 1]} : vector<256x256xf32> to vector<256x128xf32>
    %slice3A_201 = vector.extract_strided_slice %sub3A_199 {offsets = [0, 128], sizes = [256, 128], strides = [1, 1]} : vector<256x256xf32> to vector<256x128xf32>
    %lt3A_202 = arith.cmpf olt, %slice3A_200, %select_n3A_187 : vector<256x128xf32>
    %jit3A_203 = arith.constant 1.600000e+01 : f32
    %broadcast_in_dim3A_204 = vector.broadcast %jit3A_203 : f32 to vector<256x128xf32>
    %select_n3A_205 = arith.select %lt3A_202, %broadcast_in_dim3A_204, %select_n3A_186 : vector<256x128xi1>, vector<256x128xf32>
    %select_n3A_206 = arith.select %lt3A_202, %slice3A_200, %select_n3A_187 : vector<256x128xi1>, vector<256x128xf32>
    %lt3A_207 = arith.cmpf olt, %slice3A_201, %select_n3A_206 : vector<256x128xf32>
    %jit3A_208 = arith.constant 1.700000e+01 : f32
    %broadcast_in_dim3A_209 = vector.broadcast %jit3A_208 : f32 to vector<256x128xf32>
    %select_n3A_210 = arith.select %lt3A_207, %broadcast_in_dim3A_209, %select_n3A_205 : vector<256x128xi1>, vector<256x128xf32>
    %select_n3A_211 = arith.select %lt3A_207, %slice3A_201, %select_n3A_206 : vector<256x128xi1>, vector<256x128xf32>
    %get3A_212 = arith.constant 2304 : index
    %get3A_213 = arith.constant 0 : index
    %get3A_214 = vector.load %arg2[%get3A_212, %get3A_213] : memref<8192x256xf32, #tpu.memory_space<vmem>>, vector<256x256xf32>
    %dot_general3A_215 = arith.constant dense<0.000000e+00> : vector<256x256xf32>
    %dot_general3A_216 = tpu.matmul %mul3A_3, %get3A_214, %dot_general3A_215 {dimension_numbers = #tpu.dot_dimension_numbers<[1], [1], [0], [0], [0, 0, 1, 0], [], []>, transpose_lhs_hint = false} : vector<256x256xf32>, vector<256x256xf32>, vector<256x256xf32> -> vector<256x256xf32>
    %get3A_217 = arith.constant 0 : index
    %get3A_218 = arith.constant 2304 : index
    %get3A_219 = vector.load %arg4[%get3A_217, %get3A_218] : memref<1x8192xf32, #tpu.memory_space<vmem>>, vector<1x256xf32>
    %add3A_220 = vector.broadcast %get3A_6 : vector<256x1xf32> to vector<256x256xf32>
    %add3A_221 = vector.broadcast %get3A_219 : vector<1x256xf32> to vector<256x256xf32>
    %add3A_222 = arith.addf %add3A_220, %add3A_221 : vector<256x256xf32>
    %sub3A_223 = arith.subf %add3A_222, %dot_general3A_216 : vector<256x256xf32>
    %slice3A_224 = vector.extract_strided_slice %sub3A_223 {offsets = [0, 0], sizes = [256, 128], strides = [1, 1]} : vector<256x256xf32> to vector<256x128xf32>
    %slice3A_225 = vector.extract_strided_slice %sub3A_223 {offsets = [0, 128], sizes = [256, 128], strides = [1, 1]} : vector<256x256xf32> to vector<256x128xf32>
    %lt3A_226 = arith.cmpf olt, %slice3A_224, %select_n3A_211 : vector<256x128xf32>
    %jit3A_227 = arith.constant 1.800000e+01 : f32
    %broadcast_in_dim3A_228 = vector.broadcast %jit3A_227 : f32 to vector<256x128xf32>
    %select_n3A_229 = arith.select %lt3A_226, %broadcast_in_dim3A_228, %select_n3A_210 : vector<256x128xi1>, vector<256x128xf32>
    %select_n3A_230 = arith.select %lt3A_226, %slice3A_224, %select_n3A_211 : vector<256x128xi1>, vector<256x128xf32>
    %lt3A_231 = arith.cmpf olt, %slice3A_225, %select_n3A_230 : vector<256x128xf32>
    %jit3A_232 = arith.constant 1.900000e+01 : f32
    %broadcast_in_dim3A_233 = vector.broadcast %jit3A_232 : f32 to vector<256x128xf32>
    %select_n3A_234 = arith.select %lt3A_231, %broadcast_in_dim3A_233, %select_n3A_229 : vector<256x128xi1>, vector<256x128xf32>
    %select_n3A_235 = arith.select %lt3A_231, %slice3A_225, %select_n3A_230 : vector<256x128xi1>, vector<256x128xf32>
    %get3A_236 = arith.constant 2560 : index
    %get3A_237 = arith.constant 0 : index
    %get3A_238 = vector.load %arg2[%get3A_236, %get3A_237] : memref<8192x256xf32, #tpu.memory_space<vmem>>, vector<256x256xf32>
    %dot_general3A_239 = arith.constant dense<0.000000e+00> : vector<256x256xf32>
    %dot_general3A_240 = tpu.matmul %mul3A_3, %get3A_238, %dot_general3A_239 {dimension_numbers = #tpu.dot_dimension_numbers<[1], [1], [0], [0], [0, 0, 1, 0], [], []>, transpose_lhs_hint = false} : vector<256x256xf32>, vector<256x256xf32>, vector<256x256xf32> -> vector<256x256xf32>
    %get3A_241 = arith.constant 0 : index
    %get3A_242 = arith.constant 2560 : index
    %get3A_243 = vector.load %arg4[%get3A_241, %get3A_242] : memref<1x8192xf32, #tpu.memory_space<vmem>>, vector<1x256xf32>
    %add3A_244 = vector.broadcast %get3A_6 : vector<256x1xf32> to vector<256x256xf32>
    %add3A_245 = vector.broadcast %get3A_243 : vector<1x256xf32> to vector<256x256xf32>
    %add3A_246 = arith.addf %add3A_244, %add3A_245 : vector<256x256xf32>
    %sub3A_247 = arith.subf %add3A_246, %dot_general3A_240 : vector<256x256xf32>
    %slice3A_248 = vector.extract_strided_slice %sub3A_247 {offsets = [0, 0], sizes = [256, 128], strides = [1, 1]} : vector<256x256xf32> to vector<256x128xf32>
    %slice3A_249 = vector.extract_strided_slice %sub3A_247 {offsets = [0, 128], sizes = [256, 128], strides = [1, 1]} : vector<256x256xf32> to vector<256x128xf32>
    %lt3A_250 = arith.cmpf olt, %slice3A_248, %select_n3A_235 : vector<256x128xf32>
    %jit3A_251 = arith.constant 2.000000e+01 : f32
    %broadcast_in_dim3A_252 = vector.broadcast %jit3A_251 : f32 to vector<256x128xf32>
    %select_n3A_253 = arith.select %lt3A_250, %broadcast_in_dim3A_252, %select_n3A_234 : vector<256x128xi1>, vector<256x128xf32>
    %select_n3A_254 = arith.select %lt3A_250, %slice3A_248, %select_n3A_235 : vector<256x128xi1>, vector<256x128xf32>
    %lt3A_255 = arith.cmpf olt, %slice3A_249, %select_n3A_254 : vector<256x128xf32>
    %jit3A_256 = arith.constant 2.100000e+01 : f32
    %broadcast_in_dim3A_257 = vector.broadcast %jit3A_256 : f32 to vector<256x128xf32>
    %select_n3A_258 = arith.select %lt3A_255, %broadcast_in_dim3A_257, %select_n3A_253 : vector<256x128xi1>, vector<256x128xf32>
    %select_n3A_259 = arith.select %lt3A_255, %slice3A_249, %select_n3A_254 : vector<256x128xi1>, vector<256x128xf32>
    %get3A_260 = arith.constant 2816 : index
    %get3A_261 = arith.constant 0 : index
    %get3A_262 = vector.load %arg2[%get3A_260, %get3A_261] : memref<8192x256xf32, #tpu.memory_space<vmem>>, vector<256x256xf32>
    %dot_general3A_263 = arith.constant dense<0.000000e+00> : vector<256x256xf32>
    %dot_general3A_264 = tpu.matmul %mul3A_3, %get3A_262, %dot_general3A_263 {dimension_numbers = #tpu.dot_dimension_numbers<[1], [1], [0], [0], [0, 0, 1, 0], [], []>, transpose_lhs_hint = false} : vector<256x256xf32>, vector<256x256xf32>, vector<256x256xf32> -> vector<256x256xf32>
    %get3A_265 = arith.constant 0 : index
    %get3A_266 = arith.constant 2816 : index
    %get3A_267 = vector.load %arg4[%get3A_265, %get3A_266] : memref<1x8192xf32, #tpu.memory_space<vmem>>, vector<1x256xf32>
    %add3A_268 = vector.broadcast %get3A_6 : vector<256x1xf32> to vector<256x256xf32>
    %add3A_269 = vector.broadcast %get3A_267 : vector<1x256xf32> to vector<256x256xf32>
    %add3A_270 = arith.addf %add3A_268, %add3A_269 : vector<256x256xf32>
    %sub3A_271 = arith.subf %add3A_270, %dot_general3A_264 : vector<256x256xf32>
    %slice3A_272 = vector.extract_strided_slice %sub3A_271 {offsets = [0, 0], sizes = [256, 128], strides = [1, 1]} : vector<256x256xf32> to vector<256x128xf32>
    %slice3A_273 = vector.extract_strided_slice %sub3A_271 {offsets = [0, 128], sizes = [256, 128], strides = [1, 1]} : vector<256x256xf32> to vector<256x128xf32>
    %lt3A_274 = arith.cmpf olt, %slice3A_272, %select_n3A_259 : vector<256x128xf32>
    %jit3A_275 = arith.constant 2.200000e+01 : f32
    %broadcast_in_dim3A_276 = vector.broadcast %jit3A_275 : f32 to vector<256x128xf32>
    %select_n3A_277 = arith.select %lt3A_274, %broadcast_in_dim3A_276, %select_n3A_258 : vector<256x128xi1>, vector<256x128xf32>
    %select_n3A_278 = arith.select %lt3A_274, %slice3A_272, %select_n3A_259 : vector<256x128xi1>, vector<256x128xf32>
    %lt3A_279 = arith.cmpf olt, %slice3A_273, %select_n3A_278 : vector<256x128xf32>
    %jit3A_280 = arith.constant 2.300000e+01 : f32
    %broadcast_in_dim3A_281 = vector.broadcast %jit3A_280 : f32 to vector<256x128xf32>
    %select_n3A_282 = arith.select %lt3A_279, %broadcast_in_dim3A_281, %select_n3A_277 : vector<256x128xi1>, vector<256x128xf32>
    %select_n3A_283 = arith.select %lt3A_279, %slice3A_273, %select_n3A_278 : vector<256x128xi1>, vector<256x128xf32>
    %get3A_284 = arith.constant 3072 : index
    %get3A_285 = arith.constant 0 : index
    %get3A_286 = vector.load %arg2[%get3A_284, %get3A_285] : memref<8192x256xf32, #tpu.memory_space<vmem>>, vector<256x256xf32>
    %dot_general3A_287 = arith.constant dense<0.000000e+00> : vector<256x256xf32>
    %dot_general3A_288 = tpu.matmul %mul3A_3, %get3A_286, %dot_general3A_287 {dimension_numbers = #tpu.dot_dimension_numbers<[1], [1], [0], [0], [0, 0, 1, 0], [], []>, transpose_lhs_hint = false} : vector<256x256xf32>, vector<256x256xf32>, vector<256x256xf32> -> vector<256x256xf32>
    %get3A_289 = arith.constant 0 : index
    %get3A_290 = arith.constant 3072 : index
    %get3A_291 = vector.load %arg4[%get3A_289, %get3A_290] : memref<1x8192xf32, #tpu.memory_space<vmem>>, vector<1x256xf32>
    %add3A_292 = vector.broadcast %get3A_6 : vector<256x1xf32> to vector<256x256xf32>
    %add3A_293 = vector.broadcast %get3A_291 : vector<1x256xf32> to vector<256x256xf32>
    %add3A_294 = arith.addf %add3A_292, %add3A_293 : vector<256x256xf32>
    %sub3A_295 = arith.subf %add3A_294, %dot_general3A_288 : vector<256x256xf32>
    %slice3A_296 = vector.extract_strided_slice %sub3A_295 {offsets = [0, 0], sizes = [256, 128], strides = [1, 1]} : vector<256x256xf32> to vector<256x128xf32>
    %slice3A_297 = vector.extract_strided_slice %sub3A_295 {offsets = [0, 128], sizes = [256, 128], strides = [1, 1]} : vector<256x256xf32> to vector<256x128xf32>
    %lt3A_298 = arith.cmpf olt, %slice3A_296, %select_n3A_283 : vector<256x128xf32>
    %jit3A_299 = arith.constant 2.400000e+01 : f32
    %broadcast_in_dim3A_300 = vector.broadcast %jit3A_299 : f32 to vector<256x128xf32>
    %select_n3A_301 = arith.select %lt3A_298, %broadcast_in_dim3A_300, %select_n3A_282 : vector<256x128xi1>, vector<256x128xf32>
    %select_n3A_302 = arith.select %lt3A_298, %slice3A_296, %select_n3A_283 : vector<256x128xi1>, vector<256x128xf32>
    %lt3A_303 = arith.cmpf olt, %slice3A_297, %select_n3A_302 : vector<256x128xf32>
    %jit3A_304 = arith.constant 2.500000e+01 : f32
    %broadcast_in_dim3A_305 = vector.broadcast %jit3A_304 : f32 to vector<256x128xf32>
    %select_n3A_306 = arith.select %lt3A_303, %broadcast_in_dim3A_305, %select_n3A_301 : vector<256x128xi1>, vector<256x128xf32>
    %select_n3A_307 = arith.select %lt3A_303, %slice3A_297, %select_n3A_302 : vector<256x128xi1>, vector<256x128xf32>
    %get3A_308 = arith.constant 3328 : index
    %get3A_309 = arith.constant 0 : index
    %get3A_310 = vector.load %arg2[%get3A_308, %get3A_309] : memref<8192x256xf32, #tpu.memory_space<vmem>>, vector<256x256xf32>
    %dot_general3A_311 = arith.constant dense<0.000000e+00> : vector<256x256xf32>
    %dot_general3A_312 = tpu.matmul %mul3A_3, %get3A_310, %dot_general3A_311 {dimension_numbers = #tpu.dot_dimension_numbers<[1], [1], [0], [0], [0, 0, 1, 0], [], []>, transpose_lhs_hint = false} : vector<256x256xf32>, vector<256x256xf32>, vector<256x256xf32> -> vector<256x256xf32>
    %get3A_313 = arith.constant 0 : index
    %get3A_314 = arith.constant 3328 : index
    %get3A_315 = vector.load %arg4[%get3A_313, %get3A_314] : memref<1x8192xf32, #tpu.memory_space<vmem>>, vector<1x256xf32>
    %add3A_316 = vector.broadcast %get3A_6 : vector<256x1xf32> to vector<256x256xf32>
    %add3A_317 = vector.broadcast %get3A_315 : vector<1x256xf32> to vector<256x256xf32>
    %add3A_318 = arith.addf %add3A_316, %add3A_317 : vector<256x256xf32>
    %sub3A_319 = arith.subf %add3A_318, %dot_general3A_312 : vector<256x256xf32>
    %slice3A_320 = vector.extract_strided_slice %sub3A_319 {offsets = [0, 0], sizes = [256, 128], strides = [1, 1]} : vector<256x256xf32> to vector<256x128xf32>
    %slice3A_321 = vector.extract_strided_slice %sub3A_319 {offsets = [0, 128], sizes = [256, 128], strides = [1, 1]} : vector<256x256xf32> to vector<256x128xf32>
    %lt3A_322 = arith.cmpf olt, %slice3A_320, %select_n3A_307 : vector<256x128xf32>
    %jit3A_323 = arith.constant 2.600000e+01 : f32
    %broadcast_in_dim3A_324 = vector.broadcast %jit3A_323 : f32 to vector<256x128xf32>
    %select_n3A_325 = arith.select %lt3A_322, %broadcast_in_dim3A_324, %select_n3A_306 : vector<256x128xi1>, vector<256x128xf32>
    %select_n3A_326 = arith.select %lt3A_322, %slice3A_320, %select_n3A_307 : vector<256x128xi1>, vector<256x128xf32>
    %lt3A_327 = arith.cmpf olt, %slice3A_321, %select_n3A_326 : vector<256x128xf32>
    %jit3A_328 = arith.constant 2.700000e+01 : f32
    %broadcast_in_dim3A_329 = vector.broadcast %jit3A_328 : f32 to vector<256x128xf32>
    %select_n3A_330 = arith.select %lt3A_327, %broadcast_in_dim3A_329, %select_n3A_325 : vector<256x128xi1>, vector<256x128xf32>
    %select_n3A_331 = arith.select %lt3A_327, %slice3A_321, %select_n3A_326 : vector<256x128xi1>, vector<256x128xf32>
    %get3A_332 = arith.constant 3584 : index
    %get3A_333 = arith.constant 0 : index
    %get3A_334 = vector.load %arg2[%get3A_332, %get3A_333] : memref<8192x256xf32, #tpu.memory_space<vmem>>, vector<256x256xf32>
    %dot_general3A_335 = arith.constant dense<0.000000e+00> : vector<256x256xf32>
    %dot_general3A_336 = tpu.matmul %mul3A_3, %get3A_334, %dot_general3A_335 {dimension_numbers = #tpu.dot_dimension_numbers<[1], [1], [0], [0], [0, 0, 1, 0], [], []>, transpose_lhs_hint = false} : vector<256x256xf32>, vector<256x256xf32>, vector<256x256xf32> -> vector<256x256xf32>
    %get3A_337 = arith.constant 0 : index
    %get3A_338 = arith.constant 3584 : index
    %get3A_339 = vector.load %arg4[%get3A_337, %get3A_338] : memref<1x8192xf32, #tpu.memory_space<vmem>>, vector<1x256xf32>
    %add3A_340 = vector.broadcast %get3A_6 : vector<256x1xf32> to vector<256x256xf32>
    %add3A_341 = vector.broadcast %get3A_339 : vector<1x256xf32> to vector<256x256xf32>
    %add3A_342 = arith.addf %add3A_340, %add3A_341 : vector<256x256xf32>
    %sub3A_343 = arith.subf %add3A_342, %dot_general3A_336 : vector<256x256xf32>
    %slice3A_344 = vector.extract_strided_slice %sub3A_343 {offsets = [0, 0], sizes = [256, 128], strides = [1, 1]} : vector<256x256xf32> to vector<256x128xf32>
    %slice3A_345 = vector.extract_strided_slice %sub3A_343 {offsets = [0, 128], sizes = [256, 128], strides = [1, 1]} : vector<256x256xf32> to vector<256x128xf32>
    %lt3A_346 = arith.cmpf olt, %slice3A_344, %select_n3A_331 : vector<256x128xf32>
    %jit3A_347 = arith.constant 2.800000e+01 : f32
    %broadcast_in_dim3A_348 = vector.broadcast %jit3A_347 : f32 to vector<256x128xf32>
    %select_n3A_349 = arith.select %lt3A_346, %broadcast_in_dim3A_348, %select_n3A_330 : vector<256x128xi1>, vector<256x128xf32>
    %select_n3A_350 = arith.select %lt3A_346, %slice3A_344, %select_n3A_331 : vector<256x128xi1>, vector<256x128xf32>
    %lt3A_351 = arith.cmpf olt, %slice3A_345, %select_n3A_350 : vector<256x128xf32>
    %jit3A_352 = arith.constant 2.900000e+01 : f32
    %broadcast_in_dim3A_353 = vector.broadcast %jit3A_352 : f32 to vector<256x128xf32>
    %select_n3A_354 = arith.select %lt3A_351, %broadcast_in_dim3A_353, %select_n3A_349 : vector<256x128xi1>, vector<256x128xf32>
    %select_n3A_355 = arith.select %lt3A_351, %slice3A_345, %select_n3A_350 : vector<256x128xi1>, vector<256x128xf32>
    %get3A_356 = arith.constant 3840 : index
    %get3A_357 = arith.constant 0 : index
    %get3A_358 = vector.load %arg2[%get3A_356, %get3A_357] : memref<8192x256xf32, #tpu.memory_space<vmem>>, vector<256x256xf32>
    %dot_general3A_359 = arith.constant dense<0.000000e+00> : vector<256x256xf32>
    %dot_general3A_360 = tpu.matmul %mul3A_3, %get3A_358, %dot_general3A_359 {dimension_numbers = #tpu.dot_dimension_numbers<[1], [1], [0], [0], [0, 0, 1, 0], [], []>, transpose_lhs_hint = false} : vector<256x256xf32>, vector<256x256xf32>, vector<256x256xf32> -> vector<256x256xf32>
    %get3A_361 = arith.constant 0 : index
    %get3A_362 = arith.constant 3840 : index
    %get3A_363 = vector.load %arg4[%get3A_361, %get3A_362] : memref<1x8192xf32, #tpu.memory_space<vmem>>, vector<1x256xf32>
    %add3A_364 = vector.broadcast %get3A_6 : vector<256x1xf32> to vector<256x256xf32>
    %add3A_365 = vector.broadcast %get3A_363 : vector<1x256xf32> to vector<256x256xf32>
    %add3A_366 = arith.addf %add3A_364, %add3A_365 : vector<256x256xf32>
    %sub3A_367 = arith.subf %add3A_366, %dot_general3A_360 : vector<256x256xf32>
    %slice3A_368 = vector.extract_strided_slice %sub3A_367 {offsets = [0, 0], sizes = [256, 128], strides = [1, 1]} : vector<256x256xf32> to vector<256x128xf32>
    %slice3A_369 = vector.extract_strided_slice %sub3A_367 {offsets = [0, 128], sizes = [256, 128], strides = [1, 1]} : vector<256x256xf32> to vector<256x128xf32>
    %lt3A_370 = arith.cmpf olt, %slice3A_368, %select_n3A_355 : vector<256x128xf32>
    %jit3A_371 = arith.constant 3.000000e+01 : f32
    %broadcast_in_dim3A_372 = vector.broadcast %jit3A_371 : f32 to vector<256x128xf32>
    %select_n3A_373 = arith.select %lt3A_370, %broadcast_in_dim3A_372, %select_n3A_354 : vector<256x128xi1>, vector<256x128xf32>
    %select_n3A_374 = arith.select %lt3A_370, %slice3A_368, %select_n3A_355 : vector<256x128xi1>, vector<256x128xf32>
    %lt3A_375 = arith.cmpf olt, %slice3A_369, %select_n3A_374 : vector<256x128xf32>
    %jit3A_376 = arith.constant 3.100000e+01 : f32
    %broadcast_in_dim3A_377 = vector.broadcast %jit3A_376 : f32 to vector<256x128xf32>
    %select_n3A_378 = arith.select %lt3A_375, %broadcast_in_dim3A_377, %select_n3A_373 : vector<256x128xi1>, vector<256x128xf32>
    %select_n3A_379 = arith.select %lt3A_375, %slice3A_369, %select_n3A_374 : vector<256x128xi1>, vector<256x128xf32>
    %get3A_380 = arith.constant 4096 : index
    %get3A_381 = arith.constant 0 : index
    %get3A_382 = vector.load %arg2[%get3A_380, %get3A_381] : memref<8192x256xf32, #tpu.memory_space<vmem>>, vector<256x256xf32>
    %dot_general3A_383 = arith.constant dense<0.000000e+00> : vector<256x256xf32>
    %dot_general3A_384 = tpu.matmul %mul3A_3, %get3A_382, %dot_general3A_383 {dimension_numbers = #tpu.dot_dimension_numbers<[1], [1], [0], [0], [0, 0, 1, 0], [], []>, transpose_lhs_hint = false} : vector<256x256xf32>, vector<256x256xf32>, vector<256x256xf32> -> vector<256x256xf32>
    %get3A_385 = arith.constant 0 : index
    %get3A_386 = arith.constant 4096 : index
    %get3A_387 = vector.load %arg4[%get3A_385, %get3A_386] : memref<1x8192xf32, #tpu.memory_space<vmem>>, vector<1x256xf32>
    %add3A_388 = vector.broadcast %get3A_6 : vector<256x1xf32> to vector<256x256xf32>
    %add3A_389 = vector.broadcast %get3A_387 : vector<1x256xf32> to vector<256x256xf32>
    %add3A_390 = arith.addf %add3A_388, %add3A_389 : vector<256x256xf32>
    %sub3A_391 = arith.subf %add3A_390, %dot_general3A_384 : vector<256x256xf32>
    %slice3A_392 = vector.extract_strided_slice %sub3A_391 {offsets = [0, 0], sizes = [256, 128], strides = [1, 1]} : vector<256x256xf32> to vector<256x128xf32>
    %slice3A_393 = vector.extract_strided_slice %sub3A_391 {offsets = [0, 128], sizes = [256, 128], strides = [1, 1]} : vector<256x256xf32> to vector<256x128xf32>
    %lt3A_394 = arith.cmpf olt, %slice3A_392, %select_n3A_379 : vector<256x128xf32>
    %jit3A_395 = arith.constant 3.200000e+01 : f32
    %broadcast_in_dim3A_396 = vector.broadcast %jit3A_395 : f32 to vector<256x128xf32>
    %select_n3A_397 = arith.select %lt3A_394, %broadcast_in_dim3A_396, %select_n3A_378 : vector<256x128xi1>, vector<256x128xf32>
    %select_n3A_398 = arith.select %lt3A_394, %slice3A_392, %select_n3A_379 : vector<256x128xi1>, vector<256x128xf32>
    %lt3A_399 = arith.cmpf olt, %slice3A_393, %select_n3A_398 : vector<256x128xf32>
    %jit3A_400 = arith.constant 3.300000e+01 : f32
    %broadcast_in_dim3A_401 = vector.broadcast %jit3A_400 : f32 to vector<256x128xf32>
    %select_n3A_402 = arith.select %lt3A_399, %broadcast_in_dim3A_401, %select_n3A_397 : vector<256x128xi1>, vector<256x128xf32>
    %select_n3A_403 = arith.select %lt3A_399, %slice3A_393, %select_n3A_398 : vector<256x128xi1>, vector<256x128xf32>
    %get3A_404 = arith.constant 4352 : index
    %get3A_405 = arith.constant 0 : index
    %get3A_406 = vector.load %arg2[%get3A_404, %get3A_405] : memref<8192x256xf32, #tpu.memory_space<vmem>>, vector<256x256xf32>
    %dot_general3A_407 = arith.constant dense<0.000000e+00> : vector<256x256xf32>
    %dot_general3A_408 = tpu.matmul %mul3A_3, %get3A_406, %dot_general3A_407 {dimension_numbers = #tpu.dot_dimension_numbers<[1], [1], [0], [0], [0, 0, 1, 0], [], []>, transpose_lhs_hint = false} : vector<256x256xf32>, vector<256x256xf32>, vector<256x256xf32> -> vector<256x256xf32>
    %get3A_409 = arith.constant 0 : index
    %get3A_410 = arith.constant 4352 : index
    %get3A_411 = vector.load %arg4[%get3A_409, %get3A_410] : memref<1x8192xf32, #tpu.memory_space<vmem>>, vector<1x256xf32>
    %add3A_412 = vector.broadcast %get3A_6 : vector<256x1xf32> to vector<256x256xf32>
    %add3A_413 = vector.broadcast %get3A_411 : vector<1x256xf32> to vector<256x256xf32>
    %add3A_414 = arith.addf %add3A_412, %add3A_413 : vector<256x256xf32>
    %sub3A_415 = arith.subf %add3A_414, %dot_general3A_408 : vector<256x256xf32>
    %slice3A_416 = vector.extract_strided_slice %sub3A_415 {offsets = [0, 0], sizes = [256, 128], strides = [1, 1]} : vector<256x256xf32> to vector<256x128xf32>
    %slice3A_417 = vector.extract_strided_slice %sub3A_415 {offsets = [0, 128], sizes = [256, 128], strides = [1, 1]} : vector<256x256xf32> to vector<256x128xf32>
    %lt3A_418 = arith.cmpf olt, %slice3A_416, %select_n3A_403 : vector<256x128xf32>
    %jit3A_419 = arith.constant 3.400000e+01 : f32
    %broadcast_in_dim3A_420 = vector.broadcast %jit3A_419 : f32 to vector<256x128xf32>
    %select_n3A_421 = arith.select %lt3A_418, %broadcast_in_dim3A_420, %select_n3A_402 : vector<256x128xi1>, vector<256x128xf32>
    %select_n3A_422 = arith.select %lt3A_418, %slice3A_416, %select_n3A_403 : vector<256x128xi1>, vector<256x128xf32>
    %lt3A_423 = arith.cmpf olt, %slice3A_417, %select_n3A_422 : vector<256x128xf32>
    %jit3A_424 = arith.constant 3.500000e+01 : f32
    %broadcast_in_dim3A_425 = vector.broadcast %jit3A_424 : f32 to vector<256x128xf32>
    %select_n3A_426 = arith.select %lt3A_423, %broadcast_in_dim3A_425, %select_n3A_421 : vector<256x128xi1>, vector<256x128xf32>
    %select_n3A_427 = arith.select %lt3A_423, %slice3A_417, %select_n3A_422 : vector<256x128xi1>, vector<256x128xf32>
    %get3A_428 = arith.constant 4608 : index
    %get3A_429 = arith.constant 0 : index
    %get3A_430 = vector.load %arg2[%get3A_428, %get3A_429] : memref<8192x256xf32, #tpu.memory_space<vmem>>, vector<256x256xf32>
    %dot_general3A_431 = arith.constant dense<0.000000e+00> : vector<256x256xf32>
    %dot_general3A_432 = tpu.matmul %mul3A_3, %get3A_430, %dot_general3A_431 {dimension_numbers = #tpu.dot_dimension_numbers<[1], [1], [0], [0], [0, 0, 1, 0], [], []>, transpose_lhs_hint = false} : vector<256x256xf32>, vector<256x256xf32>, vector<256x256xf32> -> vector<256x256xf32>
    %get3A_433 = arith.constant 0 : index
    %get3A_434 = arith.constant 4608 : index
    %get3A_435 = vector.load %arg4[%get3A_433, %get3A_434] : memref<1x8192xf32, #tpu.memory_space<vmem>>, vector<1x256xf32>
    %add3A_436 = vector.broadcast %get3A_6 : vector<256x1xf32> to vector<256x256xf32>
    %add3A_437 = vector.broadcast %get3A_435 : vector<1x256xf32> to vector<256x256xf32>
    %add3A_438 = arith.addf %add3A_436, %add3A_437 : vector<256x256xf32>
    %sub3A_439 = arith.subf %add3A_438, %dot_general3A_432 : vector<256x256xf32>
    %slice3A_440 = vector.extract_strided_slice %sub3A_439 {offsets = [0, 0], sizes = [256, 128], strides = [1, 1]} : vector<256x256xf32> to vector<256x128xf32>
    %slice3A_441 = vector.extract_strided_slice %sub3A_439 {offsets = [0, 128], sizes = [256, 128], strides = [1, 1]} : vector<256x256xf32> to vector<256x128xf32>
    %lt3A_442 = arith.cmpf olt, %slice3A_440, %select_n3A_427 : vector<256x128xf32>
    %jit3A_443 = arith.constant 3.600000e+01 : f32
    %broadcast_in_dim3A_444 = vector.broadcast %jit3A_443 : f32 to vector<256x128xf32>
    %select_n3A_445 = arith.select %lt3A_442, %broadcast_in_dim3A_444, %select_n3A_426 : vector<256x128xi1>, vector<256x128xf32>
    %select_n3A_446 = arith.select %lt3A_442, %slice3A_440, %select_n3A_427 : vector<256x128xi1>, vector<256x128xf32>
    %lt3A_447 = arith.cmpf olt, %slice3A_441, %select_n3A_446 : vector<256x128xf32>
    %jit3A_448 = arith.constant 3.700000e+01 : f32
    %broadcast_in_dim3A_449 = vector.broadcast %jit3A_448 : f32 to vector<256x128xf32>
    %select_n3A_450 = arith.select %lt3A_447, %broadcast_in_dim3A_449, %select_n3A_445 : vector<256x128xi1>, vector<256x128xf32>
    %select_n3A_451 = arith.select %lt3A_447, %slice3A_441, %select_n3A_446 : vector<256x128xi1>, vector<256x128xf32>
    %get3A_452 = arith.constant 4864 : index
    %get3A_453 = arith.constant 0 : index
    %get3A_454 = vector.load %arg2[%get3A_452, %get3A_453] : memref<8192x256xf32, #tpu.memory_space<vmem>>, vector<256x256xf32>
    %dot_general3A_455 = arith.constant dense<0.000000e+00> : vector<256x256xf32>
    %dot_general3A_456 = tpu.matmul %mul3A_3, %get3A_454, %dot_general3A_455 {dimension_numbers = #tpu.dot_dimension_numbers<[1], [1], [0], [0], [0, 0, 1, 0], [], []>, transpose_lhs_hint = false} : vector<256x256xf32>, vector<256x256xf32>, vector<256x256xf32> -> vector<256x256xf32>
    %get3A_457 = arith.constant 0 : index
    %get3A_458 = arith.constant 4864 : index
    %get3A_459 = vector.load %arg4[%get3A_457, %get3A_458] : memref<1x8192xf32, #tpu.memory_space<vmem>>, vector<1x256xf32>
    %add3A_460 = vector.broadcast %get3A_6 : vector<256x1xf32> to vector<256x256xf32>
    %add3A_461 = vector.broadcast %get3A_459 : vector<1x256xf32> to vector<256x256xf32>
    %add3A_462 = arith.addf %add3A_460, %add3A_461 : vector<256x256xf32>
    %sub3A_463 = arith.subf %add3A_462, %dot_general3A_456 : vector<256x256xf32>
    %slice3A_464 = vector.extract_strided_slice %sub3A_463 {offsets = [0, 0], sizes = [256, 128], strides = [1, 1]} : vector<256x256xf32> to vector<256x128xf32>
    %slice3A_465 = vector.extract_strided_slice %sub3A_463 {offsets = [0, 128], sizes = [256, 128], strides = [1, 1]} : vector<256x256xf32> to vector<256x128xf32>
    %lt3A_466 = arith.cmpf olt, %slice3A_464, %select_n3A_451 : vector<256x128xf32>
    %jit3A_467 = arith.constant 3.800000e+01 : f32
    %broadcast_in_dim3A_468 = vector.broadcast %jit3A_467 : f32 to vector<256x128xf32>
    %select_n3A_469 = arith.select %lt3A_466, %broadcast_in_dim3A_468, %select_n3A_450 : vector<256x128xi1>, vector<256x128xf32>
    %select_n3A_470 = arith.select %lt3A_466, %slice3A_464, %select_n3A_451 : vector<256x128xi1>, vector<256x128xf32>
    %lt3A_471 = arith.cmpf olt, %slice3A_465, %select_n3A_470 : vector<256x128xf32>
    %jit3A_472 = arith.constant 3.900000e+01 : f32
    %broadcast_in_dim3A_473 = vector.broadcast %jit3A_472 : f32 to vector<256x128xf32>
    %select_n3A_474 = arith.select %lt3A_471, %broadcast_in_dim3A_473, %select_n3A_469 : vector<256x128xi1>, vector<256x128xf32>
    %select_n3A_475 = arith.select %lt3A_471, %slice3A_465, %select_n3A_470 : vector<256x128xi1>, vector<256x128xf32>
    %get3A_476 = arith.constant 5120 : index
    %get3A_477 = arith.constant 0 : index
    %get3A_478 = vector.load %arg2[%get3A_476, %get3A_477] : memref<8192x256xf32, #tpu.memory_space<vmem>>, vector<256x256xf32>
    %dot_general3A_479 = arith.constant dense<0.000000e+00> : vector<256x256xf32>
    %dot_general3A_480 = tpu.matmul %mul3A_3, %get3A_478, %dot_general3A_479 {dimension_numbers = #tpu.dot_dimension_numbers<[1], [1], [0], [0], [0, 0, 1, 0], [], []>, transpose_lhs_hint = false} : vector<256x256xf32>, vector<256x256xf32>, vector<256x256xf32> -> vector<256x256xf32>
    %get3A_481 = arith.constant 0 : index
    %get3A_482 = arith.constant 5120 : index
    %get3A_483 = vector.load %arg4[%get3A_481, %get3A_482] : memref<1x8192xf32, #tpu.memory_space<vmem>>, vector<1x256xf32>
    %add3A_484 = vector.broadcast %get3A_6 : vector<256x1xf32> to vector<256x256xf32>
    %add3A_485 = vector.broadcast %get3A_483 : vector<1x256xf32> to vector<256x256xf32>
    %add3A_486 = arith.addf %add3A_484, %add3A_485 : vector<256x256xf32>
    %sub3A_487 = arith.subf %add3A_486, %dot_general3A_480 : vector<256x256xf32>
    %slice3A_488 = vector.extract_strided_slice %sub3A_487 {offsets = [0, 0], sizes = [256, 128], strides = [1, 1]} : vector<256x256xf32> to vector<256x128xf32>
    %slice3A_489 = vector.extract_strided_slice %sub3A_487 {offsets = [0, 128], sizes = [256, 128], strides = [1, 1]} : vector<256x256xf32> to vector<256x128xf32>
    %lt3A_490 = arith.cmpf olt, %slice3A_488, %select_n3A_475 : vector<256x128xf32>
    %jit3A_491 = arith.constant 4.000000e+01 : f32
    %broadcast_in_dim3A_492 = vector.broadcast %jit3A_491 : f32 to vector<256x128xf32>
    %select_n3A_493 = arith.select %lt3A_490, %broadcast_in_dim3A_492, %select_n3A_474 : vector<256x128xi1>, vector<256x128xf32>
    %select_n3A_494 = arith.select %lt3A_490, %slice3A_488, %select_n3A_475 : vector<256x128xi1>, vector<256x128xf32>
    %lt3A_495 = arith.cmpf olt, %slice3A_489, %select_n3A_494 : vector<256x128xf32>
    %jit3A_496 = arith.constant 4.100000e+01 : f32
    %broadcast_in_dim3A_497 = vector.broadcast %jit3A_496 : f32 to vector<256x128xf32>
    %select_n3A_498 = arith.select %lt3A_495, %broadcast_in_dim3A_497, %select_n3A_493 : vector<256x128xi1>, vector<256x128xf32>
    %select_n3A_499 = arith.select %lt3A_495, %slice3A_489, %select_n3A_494 : vector<256x128xi1>, vector<256x128xf32>
    %get3A_500 = arith.constant 5376 : index
    %get3A_501 = arith.constant 0 : index
    %get3A_502 = vector.load %arg2[%get3A_500, %get3A_501] : memref<8192x256xf32, #tpu.memory_space<vmem>>, vector<256x256xf32>
    %dot_general3A_503 = arith.constant dense<0.000000e+00> : vector<256x256xf32>
    %dot_general3A_504 = tpu.matmul %mul3A_3, %get3A_502, %dot_general3A_503 {dimension_numbers = #tpu.dot_dimension_numbers<[1], [1], [0], [0], [0, 0, 1, 0], [], []>, transpose_lhs_hint = false} : vector<256x256xf32>, vector<256x256xf32>, vector<256x256xf32> -> vector<256x256xf32>
    %get3A_505 = arith.constant 0 : index
    %get3A_506 = arith.constant 5376 : index
    %get3A_507 = vector.load %arg4[%get3A_505, %get3A_506] : memref<1x8192xf32, #tpu.memory_space<vmem>>, vector<1x256xf32>
    %add3A_508 = vector.broadcast %get3A_6 : vector<256x1xf32> to vector<256x256xf32>
    %add3A_509 = vector.broadcast %get3A_507 : vector<1x256xf32> to vector<256x256xf32>
    %add3A_510 = arith.addf %add3A_508, %add3A_509 : vector<256x256xf32>
    %sub3A_511 = arith.subf %add3A_510, %dot_general3A_504 : vector<256x256xf32>
    %slice3A_512 = vector.extract_strided_slice %sub3A_511 {offsets = [0, 0], sizes = [256, 128], strides = [1, 1]} : vector<256x256xf32> to vector<256x128xf32>
    %slice3A_513 = vector.extract_strided_slice %sub3A_511 {offsets = [0, 128], sizes = [256, 128], strides = [1, 1]} : vector<256x256xf32> to vector<256x128xf32>
    %lt3A_514 = arith.cmpf olt, %slice3A_512, %select_n3A_499 : vector<256x128xf32>
    %jit3A_515 = arith.constant 4.200000e+01 : f32
    %broadcast_in_dim3A_516 = vector.broadcast %jit3A_515 : f32 to vector<256x128xf32>
    %select_n3A_517 = arith.select %lt3A_514, %broadcast_in_dim3A_516, %select_n3A_498 : vector<256x128xi1>, vector<256x128xf32>
    %select_n3A_518 = arith.select %lt3A_514, %slice3A_512, %select_n3A_499 : vector<256x128xi1>, vector<256x128xf32>
    %lt3A_519 = arith.cmpf olt, %slice3A_513, %select_n3A_518 : vector<256x128xf32>
    %jit3A_520 = arith.constant 4.300000e+01 : f32
    %broadcast_in_dim3A_521 = vector.broadcast %jit3A_520 : f32 to vector<256x128xf32>
    %select_n3A_522 = arith.select %lt3A_519, %broadcast_in_dim3A_521, %select_n3A_517 : vector<256x128xi1>, vector<256x128xf32>
    %select_n3A_523 = arith.select %lt3A_519, %slice3A_513, %select_n3A_518 : vector<256x128xi1>, vector<256x128xf32>
    %get3A_524 = arith.constant 5632 : index
    %get3A_525 = arith.constant 0 : index
    %get3A_526 = vector.load %arg2[%get3A_524, %get3A_525] : memref<8192x256xf32, #tpu.memory_space<vmem>>, vector<256x256xf32>
    %dot_general3A_527 = arith.constant dense<0.000000e+00> : vector<256x256xf32>
    %dot_general3A_528 = tpu.matmul %mul3A_3, %get3A_526, %dot_general3A_527 {dimension_numbers = #tpu.dot_dimension_numbers<[1], [1], [0], [0], [0, 0, 1, 0], [], []>, transpose_lhs_hint = false} : vector<256x256xf32>, vector<256x256xf32>, vector<256x256xf32> -> vector<256x256xf32>
    %get3A_529 = arith.constant 0 : index
    %get3A_530 = arith.constant 5632 : index
    %get3A_531 = vector.load %arg4[%get3A_529, %get3A_530] : memref<1x8192xf32, #tpu.memory_space<vmem>>, vector<1x256xf32>
    %add3A_532 = vector.broadcast %get3A_6 : vector<256x1xf32> to vector<256x256xf32>
    %add3A_533 = vector.broadcast %get3A_531 : vector<1x256xf32> to vector<256x256xf32>
    %add3A_534 = arith.addf %add3A_532, %add3A_533 : vector<256x256xf32>
    %sub3A_535 = arith.subf %add3A_534, %dot_general3A_528 : vector<256x256xf32>
    %slice3A_536 = vector.extract_strided_slice %sub3A_535 {offsets = [0, 0], sizes = [256, 128], strides = [1, 1]} : vector<256x256xf32> to vector<256x128xf32>
    %slice3A_537 = vector.extract_strided_slice %sub3A_535 {offsets = [0, 128], sizes = [256, 128], strides = [1, 1]} : vector<256x256xf32> to vector<256x128xf32>
    %lt3A_538 = arith.cmpf olt, %slice3A_536, %select_n3A_523 : vector<256x128xf32>
    %jit3A_539 = arith.constant 4.400000e+01 : f32
    %broadcast_in_dim3A_540 = vector.broadcast %jit3A_539 : f32 to vector<256x128xf32>
    %select_n3A_541 = arith.select %lt3A_538, %broadcast_in_dim3A_540, %select_n3A_522 : vector<256x128xi1>, vector<256x128xf32>
    %select_n3A_542 = arith.select %lt3A_538, %slice3A_536, %select_n3A_523 : vector<256x128xi1>, vector<256x128xf32>
    %lt3A_543 = arith.cmpf olt, %slice3A_537, %select_n3A_542 : vector<256x128xf32>
    %jit3A_544 = arith.constant 4.500000e+01 : f32
    %broadcast_in_dim3A_545 = vector.broadcast %jit3A_544 : f32 to vector<256x128xf32>
    %select_n3A_546 = arith.select %lt3A_543, %broadcast_in_dim3A_545, %select_n3A_541 : vector<256x128xi1>, vector<256x128xf32>
    %select_n3A_547 = arith.select %lt3A_543, %slice3A_537, %select_n3A_542 : vector<256x128xi1>, vector<256x128xf32>
    %get3A_548 = arith.constant 5888 : index
    %get3A_549 = arith.constant 0 : index
    %get3A_550 = vector.load %arg2[%get3A_548, %get3A_549] : memref<8192x256xf32, #tpu.memory_space<vmem>>, vector<256x256xf32>
    %dot_general3A_551 = arith.constant dense<0.000000e+00> : vector<256x256xf32>
    %dot_general3A_552 = tpu.matmul %mul3A_3, %get3A_550, %dot_general3A_551 {dimension_numbers = #tpu.dot_dimension_numbers<[1], [1], [0], [0], [0, 0, 1, 0], [], []>, transpose_lhs_hint = false} : vector<256x256xf32>, vector<256x256xf32>, vector<256x256xf32> -> vector<256x256xf32>
    %get3A_553 = arith.constant 0 : index
    %get3A_554 = arith.constant 5888 : index
    %get3A_555 = vector.load %arg4[%get3A_553, %get3A_554] : memref<1x8192xf32, #tpu.memory_space<vmem>>, vector<1x256xf32>
    %add3A_556 = vector.broadcast %get3A_6 : vector<256x1xf32> to vector<256x256xf32>
    %add3A_557 = vector.broadcast %get3A_555 : vector<1x256xf32> to vector<256x256xf32>
    %add3A_558 = arith.addf %add3A_556, %add3A_557 : vector<256x256xf32>
    %sub3A_559 = arith.subf %add3A_558, %dot_general3A_552 : vector<256x256xf32>
    %slice3A_560 = vector.extract_strided_slice %sub3A_559 {offsets = [0, 0], sizes = [256, 128], strides = [1, 1]} : vector<256x256xf32> to vector<256x128xf32>
    %slice3A_561 = vector.extract_strided_slice %sub3A_559 {offsets = [0, 128], sizes = [256, 128], strides = [1, 1]} : vector<256x256xf32> to vector<256x128xf32>
    %lt3A_562 = arith.cmpf olt, %slice3A_560, %select_n3A_547 : vector<256x128xf32>
    %jit3A_563 = arith.constant 4.600000e+01 : f32
    %broadcast_in_dim3A_564 = vector.broadcast %jit3A_563 : f32 to vector<256x128xf32>
    %select_n3A_565 = arith.select %lt3A_562, %broadcast_in_dim3A_564, %select_n3A_546 : vector<256x128xi1>, vector<256x128xf32>
    %select_n3A_566 = arith.select %lt3A_562, %slice3A_560, %select_n3A_547 : vector<256x128xi1>, vector<256x128xf32>
    %lt3A_567 = arith.cmpf olt, %slice3A_561, %select_n3A_566 : vector<256x128xf32>
    %jit3A_568 = arith.constant 4.700000e+01 : f32
    %broadcast_in_dim3A_569 = vector.broadcast %jit3A_568 : f32 to vector<256x128xf32>
    %select_n3A_570 = arith.select %lt3A_567, %broadcast_in_dim3A_569, %select_n3A_565 : vector<256x128xi1>, vector<256x128xf32>
    %select_n3A_571 = arith.select %lt3A_567, %slice3A_561, %select_n3A_566 : vector<256x128xi1>, vector<256x128xf32>
    %get3A_572 = arith.constant 6144 : index
    %get3A_573 = arith.constant 0 : index
    %get3A_574 = vector.load %arg2[%get3A_572, %get3A_573] : memref<8192x256xf32, #tpu.memory_space<vmem>>, vector<256x256xf32>
    %dot_general3A_575 = arith.constant dense<0.000000e+00> : vector<256x256xf32>
    %dot_general3A_576 = tpu.matmul %mul3A_3, %get3A_574, %dot_general3A_575 {dimension_numbers = #tpu.dot_dimension_numbers<[1], [1], [0], [0], [0, 0, 1, 0], [], []>, transpose_lhs_hint = false} : vector<256x256xf32>, vector<256x256xf32>, vector<256x256xf32> -> vector<256x256xf32>
    %get3A_577 = arith.constant 0 : index
    %get3A_578 = arith.constant 6144 : index
    %get3A_579 = vector.load %arg4[%get3A_577, %get3A_578] : memref<1x8192xf32, #tpu.memory_space<vmem>>, vector<1x256xf32>
    %add3A_580 = vector.broadcast %get3A_6 : vector<256x1xf32> to vector<256x256xf32>
    %add3A_581 = vector.broadcast %get3A_579 : vector<1x256xf32> to vector<256x256xf32>
    %add3A_582 = arith.addf %add3A_580, %add3A_581 : vector<256x256xf32>
    %sub3A_583 = arith.subf %add3A_582, %dot_general3A_576 : vector<256x256xf32>
    %slice3A_584 = vector.extract_strided_slice %sub3A_583 {offsets = [0, 0], sizes = [256, 128], strides = [1, 1]} : vector<256x256xf32> to vector<256x128xf32>
    %slice3A_585 = vector.extract_strided_slice %sub3A_583 {offsets = [0, 128], sizes = [256, 128], strides = [1, 1]} : vector<256x256xf32> to vector<256x128xf32>
    %lt3A_586 = arith.cmpf olt, %slice3A_584, %select_n3A_571 : vector<256x128xf32>
    %jit3A_587 = arith.constant 4.800000e+01 : f32
    %broadcast_in_dim3A_588 = vector.broadcast %jit3A_587 : f32 to vector<256x128xf32>
    %select_n3A_589 = arith.select %lt3A_586, %broadcast_in_dim3A_588, %select_n3A_570 : vector<256x128xi1>, vector<256x128xf32>
    %select_n3A_590 = arith.select %lt3A_586, %slice3A_584, %select_n3A_571 : vector<256x128xi1>, vector<256x128xf32>
    %lt3A_591 = arith.cmpf olt, %slice3A_585, %select_n3A_590 : vector<256x128xf32>
    %jit3A_592 = arith.constant 4.900000e+01 : f32
    %broadcast_in_dim3A_593 = vector.broadcast %jit3A_592 : f32 to vector<256x128xf32>
    %select_n3A_594 = arith.select %lt3A_591, %broadcast_in_dim3A_593, %select_n3A_589 : vector<256x128xi1>, vector<256x128xf32>
    %select_n3A_595 = arith.select %lt3A_591, %slice3A_585, %select_n3A_590 : vector<256x128xi1>, vector<256x128xf32>
    %get3A_596 = arith.constant 6400 : index
    %get3A_597 = arith.constant 0 : index
    %get3A_598 = vector.load %arg2[%get3A_596, %get3A_597] : memref<8192x256xf32, #tpu.memory_space<vmem>>, vector<256x256xf32>
    %dot_general3A_599 = arith.constant dense<0.000000e+00> : vector<256x256xf32>
    %dot_general3A_600 = tpu.matmul %mul3A_3, %get3A_598, %dot_general3A_599 {dimension_numbers = #tpu.dot_dimension_numbers<[1], [1], [0], [0], [0, 0, 1, 0], [], []>, transpose_lhs_hint = false} : vector<256x256xf32>, vector<256x256xf32>, vector<256x256xf32> -> vector<256x256xf32>
    %get3A_601 = arith.constant 0 : index
    %get3A_602 = arith.constant 6400 : index
    %get3A_603 = vector.load %arg4[%get3A_601, %get3A_602] : memref<1x8192xf32, #tpu.memory_space<vmem>>, vector<1x256xf32>
    %add3A_604 = vector.broadcast %get3A_6 : vector<256x1xf32> to vector<256x256xf32>
    %add3A_605 = vector.broadcast %get3A_603 : vector<1x256xf32> to vector<256x256xf32>
    %add3A_606 = arith.addf %add3A_604, %add3A_605 : vector<256x256xf32>
    %sub3A_607 = arith.subf %add3A_606, %dot_general3A_600 : vector<256x256xf32>
    %slice3A_608 = vector.extract_strided_slice %sub3A_607 {offsets = [0, 0], sizes = [256, 128], strides = [1, 1]} : vector<256x256xf32> to vector<256x128xf32>
    %slice3A_609 = vector.extract_strided_slice %sub3A_607 {offsets = [0, 128], sizes = [256, 128], strides = [1, 1]} : vector<256x256xf32> to vector<256x128xf32>
    %lt3A_610 = arith.cmpf olt, %slice3A_608, %select_n3A_595 : vector<256x128xf32>
    %jit3A_611 = arith.constant 5.000000e+01 : f32
    %broadcast_in_dim3A_612 = vector.broadcast %jit3A_611 : f32 to vector<256x128xf32>
    %select_n3A_613 = arith.select %lt3A_610, %broadcast_in_dim3A_612, %select_n3A_594 : vector<256x128xi1>, vector<256x128xf32>
    %select_n3A_614 = arith.select %lt3A_610, %slice3A_608, %select_n3A_595 : vector<256x128xi1>, vector<256x128xf32>
    %lt3A_615 = arith.cmpf olt, %slice3A_609, %select_n3A_614 : vector<256x128xf32>
    %jit3A_616 = arith.constant 5.100000e+01 : f32
    %broadcast_in_dim3A_617 = vector.broadcast %jit3A_616 : f32 to vector<256x128xf32>
    %select_n3A_618 = arith.select %lt3A_615, %broadcast_in_dim3A_617, %select_n3A_613 : vector<256x128xi1>, vector<256x128xf32>
    %select_n3A_619 = arith.select %lt3A_615, %slice3A_609, %select_n3A_614 : vector<256x128xi1>, vector<256x128xf32>
    %get3A_620 = arith.constant 6656 : index
    %get3A_621 = arith.constant 0 : index
    %get3A_622 = vector.load %arg2[%get3A_620, %get3A_621] : memref<8192x256xf32, #tpu.memory_space<vmem>>, vector<256x256xf32>
    %dot_general3A_623 = arith.constant dense<0.000000e+00> : vector<256x256xf32>
    %dot_general3A_624 = tpu.matmul %mul3A_3, %get3A_622, %dot_general3A_623 {dimension_numbers = #tpu.dot_dimension_numbers<[1], [1], [0], [0], [0, 0, 1, 0], [], []>, transpose_lhs_hint = false} : vector<256x256xf32>, vector<256x256xf32>, vector<256x256xf32> -> vector<256x256xf32>
    %get3A_625 = arith.constant 0 : index
    %get3A_626 = arith.constant 6656 : index
    %get3A_627 = vector.load %arg4[%get3A_625, %get3A_626] : memref<1x8192xf32, #tpu.memory_space<vmem>>, vector<1x256xf32>
    %add3A_628 = vector.broadcast %get3A_6 : vector<256x1xf32> to vector<256x256xf32>
    %add3A_629 = vector.broadcast %get3A_627 : vector<1x256xf32> to vector<256x256xf32>
    %add3A_630 = arith.addf %add3A_628, %add3A_629 : vector<256x256xf32>
    %sub3A_631 = arith.subf %add3A_630, %dot_general3A_624 : vector<256x256xf32>
    %slice3A_632 = vector.extract_strided_slice %sub3A_631 {offsets = [0, 0], sizes = [256, 128], strides = [1, 1]} : vector<256x256xf32> to vector<256x128xf32>
    %slice3A_633 = vector.extract_strided_slice %sub3A_631 {offsets = [0, 128], sizes = [256, 128], strides = [1, 1]} : vector<256x256xf32> to vector<256x128xf32>
    %lt3A_634 = arith.cmpf olt, %slice3A_632, %select_n3A_619 : vector<256x128xf32>
    %jit3A_635 = arith.constant 5.200000e+01 : f32
    %broadcast_in_dim3A_636 = vector.broadcast %jit3A_635 : f32 to vector<256x128xf32>
    %select_n3A_637 = arith.select %lt3A_634, %broadcast_in_dim3A_636, %select_n3A_618 : vector<256x128xi1>, vector<256x128xf32>
    %select_n3A_638 = arith.select %lt3A_634, %slice3A_632, %select_n3A_619 : vector<256x128xi1>, vector<256x128xf32>
    %lt3A_639 = arith.cmpf olt, %slice3A_633, %select_n3A_638 : vector<256x128xf32>
    %jit3A_640 = arith.constant 5.300000e+01 : f32
    %broadcast_in_dim3A_641 = vector.broadcast %jit3A_640 : f32 to vector<256x128xf32>
    %select_n3A_642 = arith.select %lt3A_639, %broadcast_in_dim3A_641, %select_n3A_637 : vector<256x128xi1>, vector<256x128xf32>
    %select_n3A_643 = arith.select %lt3A_639, %slice3A_633, %select_n3A_638 : vector<256x128xi1>, vector<256x128xf32>
    %get3A_644 = arith.constant 6912 : index
    %get3A_645 = arith.constant 0 : index
    %get3A_646 = vector.load %arg2[%get3A_644, %get3A_645] : memref<8192x256xf32, #tpu.memory_space<vmem>>, vector<256x256xf32>
    %dot_general3A_647 = arith.constant dense<0.000000e+00> : vector<256x256xf32>
    %dot_general3A_648 = tpu.matmul %mul3A_3, %get3A_646, %dot_general3A_647 {dimension_numbers = #tpu.dot_dimension_numbers<[1], [1], [0], [0], [0, 0, 1, 0], [], []>, transpose_lhs_hint = false} : vector<256x256xf32>, vector<256x256xf32>, vector<256x256xf32> -> vector<256x256xf32>
    %get3A_649 = arith.constant 0 : index
    %get3A_650 = arith.constant 6912 : index
    %get3A_651 = vector.load %arg4[%get3A_649, %get3A_650] : memref<1x8192xf32, #tpu.memory_space<vmem>>, vector<1x256xf32>
    %add3A_652 = vector.broadcast %get3A_6 : vector<256x1xf32> to vector<256x256xf32>
    %add3A_653 = vector.broadcast %get3A_651 : vector<1x256xf32> to vector<256x256xf32>
    %add3A_654 = arith.addf %add3A_652, %add3A_653 : vector<256x256xf32>
    %sub3A_655 = arith.subf %add3A_654, %dot_general3A_648 : vector<256x256xf32>
    %slice3A_656 = vector.extract_strided_slice %sub3A_655 {offsets = [0, 0], sizes = [256, 128], strides = [1, 1]} : vector<256x256xf32> to vector<256x128xf32>
    %slice3A_657 = vector.extract_strided_slice %sub3A_655 {offsets = [0, 128], sizes = [256, 128], strides = [1, 1]} : vector<256x256xf32> to vector<256x128xf32>
    %lt3A_658 = arith.cmpf olt, %slice3A_656, %select_n3A_643 : vector<256x128xf32>
    %jit3A_659 = arith.constant 5.400000e+01 : f32
    %broadcast_in_dim3A_660 = vector.broadcast %jit3A_659 : f32 to vector<256x128xf32>
    %select_n3A_661 = arith.select %lt3A_658, %broadcast_in_dim3A_660, %select_n3A_642 : vector<256x128xi1>, vector<256x128xf32>
    %select_n3A_662 = arith.select %lt3A_658, %slice3A_656, %select_n3A_643 : vector<256x128xi1>, vector<256x128xf32>
    %lt3A_663 = arith.cmpf olt, %slice3A_657, %select_n3A_662 : vector<256x128xf32>
    %jit3A_664 = arith.constant 5.500000e+01 : f32
    %broadcast_in_dim3A_665 = vector.broadcast %jit3A_664 : f32 to vector<256x128xf32>
    %select_n3A_666 = arith.select %lt3A_663, %broadcast_in_dim3A_665, %select_n3A_661 : vector<256x128xi1>, vector<256x128xf32>
    %select_n3A_667 = arith.select %lt3A_663, %slice3A_657, %select_n3A_662 : vector<256x128xi1>, vector<256x128xf32>
    %get3A_668 = arith.constant 7168 : index
    %get3A_669 = arith.constant 0 : index
    %get3A_670 = vector.load %arg2[%get3A_668, %get3A_669] : memref<8192x256xf32, #tpu.memory_space<vmem>>, vector<256x256xf32>
    %dot_general3A_671 = arith.constant dense<0.000000e+00> : vector<256x256xf32>
    %dot_general3A_672 = tpu.matmul %mul3A_3, %get3A_670, %dot_general3A_671 {dimension_numbers = #tpu.dot_dimension_numbers<[1], [1], [0], [0], [0, 0, 1, 0], [], []>, transpose_lhs_hint = false} : vector<256x256xf32>, vector<256x256xf32>, vector<256x256xf32> -> vector<256x256xf32>
    %get3A_673 = arith.constant 0 : index
    %get3A_674 = arith.constant 7168 : index
    %get3A_675 = vector.load %arg4[%get3A_673, %get3A_674] : memref<1x8192xf32, #tpu.memory_space<vmem>>, vector<1x256xf32>
    %add3A_676 = vector.broadcast %get3A_6 : vector<256x1xf32> to vector<256x256xf32>
    %add3A_677 = vector.broadcast %get3A_675 : vector<1x256xf32> to vector<256x256xf32>
    %add3A_678 = arith.addf %add3A_676, %add3A_677 : vector<256x256xf32>
    %sub3A_679 = arith.subf %add3A_678, %dot_general3A_672 : vector<256x256xf32>
    %slice3A_680 = vector.extract_strided_slice %sub3A_679 {offsets = [0, 0], sizes = [256, 128], strides = [1, 1]} : vector<256x256xf32> to vector<256x128xf32>
    %slice3A_681 = vector.extract_strided_slice %sub3A_679 {offsets = [0, 128], sizes = [256, 128], strides = [1, 1]} : vector<256x256xf32> to vector<256x128xf32>
    %lt3A_682 = arith.cmpf olt, %slice3A_680, %select_n3A_667 : vector<256x128xf32>
    %jit3A_683 = arith.constant 5.600000e+01 : f32
    %broadcast_in_dim3A_684 = vector.broadcast %jit3A_683 : f32 to vector<256x128xf32>
    %select_n3A_685 = arith.select %lt3A_682, %broadcast_in_dim3A_684, %select_n3A_666 : vector<256x128xi1>, vector<256x128xf32>
    %select_n3A_686 = arith.select %lt3A_682, %slice3A_680, %select_n3A_667 : vector<256x128xi1>, vector<256x128xf32>
    %lt3A_687 = arith.cmpf olt, %slice3A_681, %select_n3A_686 : vector<256x128xf32>
    %jit3A_688 = arith.constant 5.700000e+01 : f32
    %broadcast_in_dim3A_689 = vector.broadcast %jit3A_688 : f32 to vector<256x128xf32>
    %select_n3A_690 = arith.select %lt3A_687, %broadcast_in_dim3A_689, %select_n3A_685 : vector<256x128xi1>, vector<256x128xf32>
    %select_n3A_691 = arith.select %lt3A_687, %slice3A_681, %select_n3A_686 : vector<256x128xi1>, vector<256x128xf32>
    %get3A_692 = arith.constant 7424 : index
    %get3A_693 = arith.constant 0 : index
    %get3A_694 = vector.load %arg2[%get3A_692, %get3A_693] : memref<8192x256xf32, #tpu.memory_space<vmem>>, vector<256x256xf32>
    %dot_general3A_695 = arith.constant dense<0.000000e+00> : vector<256x256xf32>
    %dot_general3A_696 = tpu.matmul %mul3A_3, %get3A_694, %dot_general3A_695 {dimension_numbers = #tpu.dot_dimension_numbers<[1], [1], [0], [0], [0, 0, 1, 0], [], []>, transpose_lhs_hint = false} : vector<256x256xf32>, vector<256x256xf32>, vector<256x256xf32> -> vector<256x256xf32>
    %get3A_697 = arith.constant 0 : index
    %get3A_698 = arith.constant 7424 : index
    %get3A_699 = vector.load %arg4[%get3A_697, %get3A_698] : memref<1x8192xf32, #tpu.memory_space<vmem>>, vector<1x256xf32>
    %add3A_700 = vector.broadcast %get3A_6 : vector<256x1xf32> to vector<256x256xf32>
    %add3A_701 = vector.broadcast %get3A_699 : vector<1x256xf32> to vector<256x256xf32>
    %add3A_702 = arith.addf %add3A_700, %add3A_701 : vector<256x256xf32>
    %sub3A_703 = arith.subf %add3A_702, %dot_general3A_696 : vector<256x256xf32>
    %slice3A_704 = vector.extract_strided_slice %sub3A_703 {offsets = [0, 0], sizes = [256, 128], strides = [1, 1]} : vector<256x256xf32> to vector<256x128xf32>
    %slice3A_705 = vector.extract_strided_slice %sub3A_703 {offsets = [0, 128], sizes = [256, 128], strides = [1, 1]} : vector<256x256xf32> to vector<256x128xf32>
    %lt3A_706 = arith.cmpf olt, %slice3A_704, %select_n3A_691 : vector<256x128xf32>
    %jit3A_707 = arith.constant 5.800000e+01 : f32
    %broadcast_in_dim3A_708 = vector.broadcast %jit3A_707 : f32 to vector<256x128xf32>
    %select_n3A_709 = arith.select %lt3A_706, %broadcast_in_dim3A_708, %select_n3A_690 : vector<256x128xi1>, vector<256x128xf32>
    %select_n3A_710 = arith.select %lt3A_706, %slice3A_704, %select_n3A_691 : vector<256x128xi1>, vector<256x128xf32>
    %lt3A_711 = arith.cmpf olt, %slice3A_705, %select_n3A_710 : vector<256x128xf32>
    %jit3A_712 = arith.constant 5.900000e+01 : f32
    %broadcast_in_dim3A_713 = vector.broadcast %jit3A_712 : f32 to vector<256x128xf32>
    %select_n3A_714 = arith.select %lt3A_711, %broadcast_in_dim3A_713, %select_n3A_709 : vector<256x128xi1>, vector<256x128xf32>
    %select_n3A_715 = arith.select %lt3A_711, %slice3A_705, %select_n3A_710 : vector<256x128xi1>, vector<256x128xf32>
    %get3A_716 = arith.constant 7680 : index
    %get3A_717 = arith.constant 0 : index
    %get3A_718 = vector.load %arg2[%get3A_716, %get3A_717] : memref<8192x256xf32, #tpu.memory_space<vmem>>, vector<256x256xf32>
    %dot_general3A_719 = arith.constant dense<0.000000e+00> : vector<256x256xf32>
    %dot_general3A_720 = tpu.matmul %mul3A_3, %get3A_718, %dot_general3A_719 {dimension_numbers = #tpu.dot_dimension_numbers<[1], [1], [0], [0], [0, 0, 1, 0], [], []>, transpose_lhs_hint = false} : vector<256x256xf32>, vector<256x256xf32>, vector<256x256xf32> -> vector<256x256xf32>
    %get3A_721 = arith.constant 0 : index
    %get3A_722 = arith.constant 7680 : index
    %get3A_723 = vector.load %arg4[%get3A_721, %get3A_722] : memref<1x8192xf32, #tpu.memory_space<vmem>>, vector<1x256xf32>
    %add3A_724 = vector.broadcast %get3A_6 : vector<256x1xf32> to vector<256x256xf32>
    %add3A_725 = vector.broadcast %get3A_723 : vector<1x256xf32> to vector<256x256xf32>
    %add3A_726 = arith.addf %add3A_724, %add3A_725 : vector<256x256xf32>
    %sub3A_727 = arith.subf %add3A_726, %dot_general3A_720 : vector<256x256xf32>
    %slice3A_728 = vector.extract_strided_slice %sub3A_727 {offsets = [0, 0], sizes = [256, 128], strides = [1, 1]} : vector<256x256xf32> to vector<256x128xf32>
    %slice3A_729 = vector.extract_strided_slice %sub3A_727 {offsets = [0, 128], sizes = [256, 128], strides = [1, 1]} : vector<256x256xf32> to vector<256x128xf32>
    %lt3A_730 = arith.cmpf olt, %slice3A_728, %select_n3A_715 : vector<256x128xf32>
    %jit3A_731 = arith.constant 6.000000e+01 : f32
    %broadcast_in_dim3A_732 = vector.broadcast %jit3A_731 : f32 to vector<256x128xf32>
    %select_n3A_733 = arith.select %lt3A_730, %broadcast_in_dim3A_732, %select_n3A_714 : vector<256x128xi1>, vector<256x128xf32>
    %select_n3A_734 = arith.select %lt3A_730, %slice3A_728, %select_n3A_715 : vector<256x128xi1>, vector<256x128xf32>
    %lt3A_735 = arith.cmpf olt, %slice3A_729, %select_n3A_734 : vector<256x128xf32>
    %jit3A_736 = arith.constant 6.100000e+01 : f32
    %broadcast_in_dim3A_737 = vector.broadcast %jit3A_736 : f32 to vector<256x128xf32>
    %select_n3A_738 = arith.select %lt3A_735, %broadcast_in_dim3A_737, %select_n3A_733 : vector<256x128xi1>, vector<256x128xf32>
    %select_n3A_739 = arith.select %lt3A_735, %slice3A_729, %select_n3A_734 : vector<256x128xi1>, vector<256x128xf32>
    %get3A_740 = arith.constant 7936 : index
    %get3A_741 = arith.constant 0 : index
    %get3A_742 = vector.load %arg2[%get3A_740, %get3A_741] : memref<8192x256xf32, #tpu.memory_space<vmem>>, vector<256x256xf32>
    %dot_general3A_743 = arith.constant dense<0.000000e+00> : vector<256x256xf32>
    %dot_general3A_744 = tpu.matmul %mul3A_3, %get3A_742, %dot_general3A_743 {dimension_numbers = #tpu.dot_dimension_numbers<[1], [1], [0], [0], [0, 0, 1, 0], [], []>, transpose_lhs_hint = false} : vector<256x256xf32>, vector<256x256xf32>, vector<256x256xf32> -> vector<256x256xf32>
    %get3A_745 = arith.constant 0 : index
    %get3A_746 = arith.constant 7936 : index
    %get3A_747 = vector.load %arg4[%get3A_745, %get3A_746] : memref<1x8192xf32, #tpu.memory_space<vmem>>, vector<1x256xf32>
    %add3A_748 = vector.broadcast %get3A_6 : vector<256x1xf32> to vector<256x256xf32>
    %add3A_749 = vector.broadcast %get3A_747 : vector<1x256xf32> to vector<256x256xf32>
    %add3A_750 = arith.addf %add3A_748, %add3A_749 : vector<256x256xf32>
    %sub3A_751 = arith.subf %add3A_750, %dot_general3A_744 : vector<256x256xf32>
    %slice3A_752 = vector.extract_strided_slice %sub3A_751 {offsets = [0, 0], sizes = [256, 128], strides = [1, 1]} : vector<256x256xf32> to vector<256x128xf32>
    %slice3A_753 = vector.extract_strided_slice %sub3A_751 {offsets = [0, 128], sizes = [256, 128], strides = [1, 1]} : vector<256x256xf32> to vector<256x128xf32>
    %lt3A_754 = arith.cmpf olt, %slice3A_752, %select_n3A_739 : vector<256x128xf32>
    %jit3A_755 = arith.constant 6.200000e+01 : f32
    %broadcast_in_dim3A_756 = vector.broadcast %jit3A_755 : f32 to vector<256x128xf32>
    %select_n3A_757 = arith.select %lt3A_754, %broadcast_in_dim3A_756, %select_n3A_738 : vector<256x128xi1>, vector<256x128xf32>
    %select_n3A_758 = arith.select %lt3A_754, %slice3A_752, %select_n3A_739 : vector<256x128xi1>, vector<256x128xf32>
    %lt3A_759 = arith.cmpf olt, %slice3A_753, %select_n3A_758 : vector<256x128xf32>
    %jit3A_760 = arith.constant 6.300000e+01 : f32
    %broadcast_in_dim3A_761 = vector.broadcast %jit3A_760 : f32 to vector<256x128xf32>
    %select_n3A_762 = arith.select %lt3A_759, %broadcast_in_dim3A_761, %select_n3A_757 : vector<256x128xi1>, vector<256x128xf32>
    %select_n3A_763 = arith.select %lt3A_759, %slice3A_753, %select_n3A_758 : vector<256x128xi1>, vector<256x128xf32>
    %reduce_min3A = arith.constant dense<0x7F800000> : vector<256xf32>
    %reduce_min3A_764 = vector.multi_reduction <minimumf>, %select_n3A_763, %reduce_min3A [1] : vector<256x128xf32> to vector<256xf32>
    %broadcast_in_dim3A_765 = vector.shape_cast %reduce_min3A_764 : vector<256xf32> to vector<256x1xf32>
    %iota3A = tpu.iota {dimensions = array<i32: 1>} : vector<256x128xi32>
    %convert_element_type3A = arith.sitofp %iota3A : vector<256x128xi32> to vector<256x128xf32>
    %mul3A_766 = arith.constant 1.280000e+02 : f32
    %mul3A_767 = vector.broadcast %mul3A_766 : f32 to vector<256x128xf32>
    %mul3A_768 = arith.mulf %select_n3A_762, %mul3A_767 : vector<256x128xf32>
    %add3A_769 = arith.addf %mul3A_768, %convert_element_type3A : vector<256x128xf32>
    %eq3A = vector.broadcast %broadcast_in_dim3A_765 : vector<256x1xf32> to vector<256x128xf32>
    %eq3A_770 = arith.cmpf oeq, %select_n3A_763, %eq3A : vector<256x128xf32>
    %jit3A_771 = arith.constant 3.000000e+38 : f32
    %broadcast_in_dim3A_772 = vector.broadcast %jit3A_771 : f32 to vector<256x128xf32>
    %select_n3A_773 = arith.select %eq3A_770, %add3A_769, %broadcast_in_dim3A_772 : vector<256x128xi1>, vector<256x128xf32>
    %reduce_min3A_774 = arith.constant dense<0x7F800000> : vector<256xf32>
    %reduce_min3A_775 = vector.multi_reduction <minimumf>, %select_n3A_773, %reduce_min3A_774 [1] : vector<256x128xf32> to vector<256xf32>
    %broadcast_in_dim3A_776 = vector.shape_cast %reduce_min3A_775 : vector<256xf32> to vector<256x1xf32>
    %convert_element_type3A_777 = arith.fptosi %broadcast_in_dim3A_776 : vector<256x1xf32> to vector<256x1xi32>
    %reshape3A = vector.shape_cast %convert_element_type3A_777 : vector<256x1xi32> to vector<1x1x256xi32>
    %swap3A = arith.constant 0 : index
    %swap3A_778 = arith.constant 0 : index
    %swap3A_779 = arith.constant 0 : index
    %swap3A_780 = vector.load %arg5[%swap3A, %swap3A_778, %swap3A_779] : memref<1x1x256xi32, #tpu.memory_space<vmem>>, vector<1x1x256xi32>
    tpu.vector_store %arg5[%swap3A, %swap3A_778, %swap3A_779], %reshape3A {strides = array<i32>} : memref<1x1x256xi32, #tpu.memory_space<vmem>>, vector<1x1x256xi32>,
    %eq3A_781 = arith.constant 0 : i32
    %eq3A_782 = arith.cmpi eq, %arg0, %eq3A_781 : i32
    %get3A_783 = arith.constant 0 : index
    %get3A_784 = memref.load %arg7[%get3A_783] : memref<1xf32, #tpu.memory_space<smem>>
    %jit3A_785 = arith.constant 0.000000e+00 : f32
    %select_n3A_786 = arith.select %eq3A_782, %jit3A_785, %get3A_784 : f32
    %reduce_sum3A = vector.shape_cast %broadcast_in_dim3A_765 : vector<256x1xf32> to vector<1x256x1xf32>
    %reduce_sum3A_787 = arith.constant dense<0.000000e+00> : vector<1xf32>
    %reduce_sum3A_788 = vector.multi_reduction <add>, %reduce_sum3A, %reduce_sum3A_787 [1, 2] : vector<1x256x1xf32> to vector<1xf32>
    %reduce_sum3A_789 = vector.shape_cast %reduce_sum3A_788 : vector<1xf32> to vector<1x1x1xf32>
    %reduce_sum3A_790 = vector.extract %reduce_sum3A_789[0, 0, 0] : f32 from vector<1x1x1xf32>
    %add3A_791 = arith.addf %select_n3A_786, %reduce_sum3A_790 : f32
    %swap3A_792 = arith.constant 0 : index
    %swap3A_793 = memref.load %arg7[%swap3A_792] : memref<1xf32, #tpu.memory_space<smem>>
    memref.store %add3A_791, %arg7[%swap3A_792] : memref<1xf32, #tpu.memory_space<smem>>
    %eq3A_794 = arith.constant 31 : i32
    %eq3A_795 = arith.cmpi eq, %arg0, %eq3A_794 : i32
    %convert_element_type3A_796 = arith.extui %eq3A_795 : i1 to i32
    %cond3A = arith.constant 0 : i32
    %cond3A_797 = arith.cmpi ne, %convert_element_type3A_796, %cond3A : i32
    scf.if %cond3A_797 {
      %get3A_798 = arith.constant 0 : index
      %get3A_799 = memref.load %arg7[%get3A_798] : memref<1xf32, #tpu.memory_space<smem>>
      %mul3A_800 = arith.constant 1.1920929E-7 : f32
      %mul3A_801 = arith.mulf %get3A_799, %mul3A_800 : f32
      %swap3A_802 = arith.constant 0 : index
      %swap3A_803 = memref.load %arg6[%swap3A_802] : memref<1xf32, #tpu.memory_space<smem>>
      memref.store %mul3A_801, %arg6[%swap3A_802] : memref<1xf32, #tpu.memory_space<smem>>
    } else {
    }
    return
  }
  func.func @transform_0(%arg0: i32) -> (i32, i32) {
    %c0_i32 = arith.constant 0 : i32
    %c0_i32_0 = arith.constant 0 : i32
    return %arg0, %c0_i32 : i32, i32
  }
  func.func @transform_1(%arg0: i32) -> (i32, i32) {
    %c0_i32 = arith.constant 0 : i32
    %c0_i32_0 = arith.constant 0 : i32
    %c0_i32_1 = arith.constant 0 : i32
    return %c0_i32, %c0_i32_0 : i32, i32
  }
  func.func @transform_2(%arg0: i32) -> (i32, i32) {
    %c0_i32 = arith.constant 0 : i32
    %c0_i32_0 = arith.constant 0 : i32
    return %arg0, %c0_i32 : i32, i32
  }
  func.func @transform_3(%arg0: i32) -> (i32, i32) {
    %c0_i32 = arith.constant 0 : i32
    %c0_i32_0 = arith.constant 0 : i32
    %c0_i32_1 = arith.constant 0 : i32
    return %c0_i32, %c0_i32_0 : i32, i32
  }
  func.func @transform_4(%arg0: i32) -> (i32, i32, i32) {
    %c0_i32 = arith.constant 0 : i32
    %c0_i32_0 = arith.constant 0 : i32
    %c0_i32_1 = arith.constant 0 : i32
    return %arg0, %c0_i32, %c0_i32_0 : i32, i32, i32
  }
  func.func @transform_5(%arg0: i32) -> i32 {
    %c0_i32 = arith.constant 0 : i32
    %c0_i32_0 = arith.constant 0 : i32
    return %c0_i32 : i32
  }
}

</mosaic_0001>

<sc_bundles>
// kernel: kernel.4.cloned.1.call-start
scs
__scs_entry_jumppad:
0x0: {  	(pc) =	sbr.rel $0x88, $3  }
0x1: {  	(tag) =	ssettag $0x0;
	lr =	simm.s32 $0x1  }
0x2: {  	[smem:$0x3F9F] =	sst lr;
	_ =	strace $0xD0000000  }
0x3: {  	_ = 	snop  }
0x4: {  	_ = 	snop  }
0x5: {  	_ = 	snop  }
0x6: {  	_ = 	snop  }
0x7: {  	_ = 	snop  }
__scs_overlays_trampoline_lowered:
0x8: {  	[smem:$0x3FAE] =	sst s0  }
0x9: {  	[smem:$0x3FAF] =	sst s1  }
0xa: {  	[smem:$0x3FB0] =	sst s2  }
0xb: {  	[smem:$0x3FB1] =	sst s3  }
0xc: {  	[smem:$0x3FB2] =	sst s4  }
0xd: {  	[smem:$0x3FB3] =	sst s5  }
0xe: {  	[smem:$0x3FB4] =	sst s6  }
0xf: {  	[smem:$0x3FB5] =	sst s7  }
0x10: {  	[smem:$0x3FB6] =	sst s8  }
0x11: {  	[smem:$0x3FB7] =	sst s9;
	s0 =	simm.s32 @!p0 $0x0  }
0x12: {  	s1 =	sld [smem:$0x3F9D];
	s0 =	simm.s32 @p0 $0x1  }
0x13: {  	[smem:$0x3FB8] =	sst s0;
	s0 =	simm.s32 @!p1 $0x0  }
0x14: {  	s2 =	sld [smem:$0x3F9C];
	s0 =	simm.s32 @p1 $0x1  }
0x15: {  	[smem:$0x3FB9] =	sst s0;
	s0 =	simm.s32 @!p2 $0x0  }
0x16: {  	s3 =	sld [smem:$0x3FDB];
	s0 =	simm.s32 @p2 $0x1  }
0x17: {  	s4 =	simm.s32 $0x1BF5;
	[smem:$0x3FBB] =	sst s0  }
0x18: {  	s0 =	sld [smem:$0x3F9E];
	_ =	swait.ge [sflag:s4], $0x0  }
0x19: {  	s7 =	sld [smem:$0x3F9F]  }
0x1a: {  	s8 =	sadd.s32 $0xFFFFE003, lr  }
0x1b: {  	s9 =	sadd.s32 $0xFFFFFEF7, lr;
	s5 =	simm.s32 $0xFFFFFFFF;
	p2 =	slt.u32 s8, $0xFFFFF086  }
0x1c: {  	p1 =	slt.u32 s9, $0xF7A;
	s5 =	simm.s32 @!p2 $0x0  }
0x1d: {  	s5 =	simm.s32 @p1 $0x1;
	p0 =	seq.s32 s7, s2  }
0x1e: {  	s7 =	smul.u32 @!p0 $0xF7A, s2;
	p2 =	seq.s32 @!p0 s5, $0x0  }
0x1f: {  	s9 =	smul.u32 $0xF7A, s1;
	s8 =	simm.s32 @!p0 $0x1BF5;
	p2 =	por !p2, p0  }
0x20: {  	[sflag:s8] =	ssyncset.s32 @!p0 $0xFFFFF086;
	s6 =	sadd.s32 @!p0 s3, s7;
	s7 =	simm.s32 @!p0 $0x108  }
0x21: {  	s3 =	sadd.s32 s3, s9;
	s6 =	sadd.s32 @!p0 $0x88, s6;
	s7 =	simm.s32 @p2 $0x1082  }
0x22: {  	[simem:s7], [sflag:s8] =	dma.local @!p0 [hbm:s6], $0xF7A  }
0x23: {  	s9 =	sor.u32 $0xD0000000, s2;
	s6 =	simm.s32 $0x108;
	_ =	swait.ge @!p0 [sflag:s8], $0x0  }
0x24: {  	s3 =	sadd.s32 $0x88, s3;
	s6 =	simm.s32 @!p1 $0x1082;
	[sflag:s4] =	ssyncset.s32 $0xFFFFF086  }
0x25: {  	[simem:s6], [sflag:s4] =	dma.local [hbm:s3], $0xF7A  }
0x26: {  	[smem:$0x3F9F] =	sst s1;
	(tag) =	ssettag s2;
	_ =	strace s9  }
0x27: {  	s1 =	sld [smem:$0x3FAF]  }
0x28: {  	s2 =	sld [smem:$0x3FB0]  }
0x29: {  	s4 =	sld [smem:$0x3FB2]  }
0x2a: {  	p0 =	seq.s32 s5, $0x0;
	s5 =	sld [smem:$0x3FB3]  }
0x2b: {  	s6 =	sld [smem:$0x3FB4]  }
0x2c: {  	s7 =	sld [smem:$0x3FB5]  }
0x2d: {  	s3 =	simm.s32 $0x108;
	s8 =	sld [smem:$0x3FB6]  }
0x2e: {  	s3 =	simm.s32 @!p0 $0x1082;
	s9 =	sld [smem:$0x3FB7]  }
0x2f: {  	lr =	sadd.s32 s0, s3;
	s0 =	sld [smem:$0x3FAE]  }
0x30: {  	s3 =	sld [smem:$0x3FB1]  }
0x31: {  	[smem:$0x3FBA] =	sst s10  }
0x32: {  	s10 =	sld [smem:$0x3FB8];
	_ =	sdelay $0x3  }
0x33: {  	p0 =	seq.s32 s10, $0x1;
	s10 =	sld [smem:$0x3FBA];
	_ =	sdelay $0x3  }
0x34: {  	[smem:$0x3FBA] =	sst s10  }
0x35: {  	s10 =	sld [smem:$0x3FB9];
	_ =	sdelay $0x3  }
0x36: {  	p1 =	seq.s32 s10, $0x1;
	s10 =	sld [smem:$0x3FBA];
	_ =	sdelay $0x3  }
0x37: {  	[smem:$0x3FBA] =	sst s10  }
0x38: {  	s10 =	sld [smem:$0x3FBB]  }
0x39: {  	_ = 	snop;
	(pc) =	sbr.ind lr, $3  }
0x3a: {  	_ = 	snop  }
0x3b: {  	_ = 	snop  }
0x3c: {  	p2 =	seq.s32 s10, $0x1;
	s10 =	sld [smem:$0x3FBA]  }
0x3d: {  	_ =	shalt  }
0x3e: {  	_ =	shalt  }
0x3f: {  	_ =	shalt  }
0x40: {  	_ =	shalt  }
0x41: {  	_ =	shalt  }
0x42: {  	_ =	shalt  }
0x43: {  	_ =	shalt  }
0x44: {  	_ =	shalt  }
0x45: {  	_ =	shalt  }
0x46: {  	_ =	shalt  }
0x47: {  	_ =	shalt  }
0x48: {  	_ =	shalt  }
0x49: {  	_ =	shalt  }
0x4a: {  	_ =	shalt  }
0x4b: {  	_ =	shalt  }
0x4c: {  	_ =	shalt  }
0x4d: {  	_ =	shalt  }
0x4e: {  	_ =	shalt  }
0x4f: {  	_ =	shalt  }
0x50: {  	_ =	shalt  }
0x51: {  	_ =	shalt  }
0x52: {  	_ =	shalt  }
0x53: {  	_ =	shalt  }
0x54: {  	_ =	shalt  }
0x55: {  	_ =	shalt  }
0x56: {  	_ =	shalt  }
0x57: {  	_ =	shalt  }
0x58: {  	_ =	shalt  }
0x59: {  	_ =	shalt  }
0x5a: {  	_ =	shalt  }
0x5b: {  	_ =	shalt  }
0x5c: {  	_ =	shalt  }
0x5d: {  	_ =	shalt  }
0x5e: {  	_ =	shalt  }
0x5f: {  	_ =	shalt  }
0x60: {  	_ =	shalt  }
0x61: {  	_ =	shalt  }
0x62: {  	_ =	shalt  }
0x63: {  	_ =	shalt  }
0x64: {  	_ =	shalt  }
0x65: {  	_ =	shalt  }
0x66: {  	_ =	shalt  }
0x67: {  	_ =	shalt  }
0x68: {  	_ =	shalt  }
0x69: {  	_ =	shalt  }
0x6a: {  	_ =	shalt  }
0x6b: {  	_ =	shalt  }
0x6c: {  	_ =	shalt  }
0x6d: {  	_ =	shalt  }
0x6e: {  	_ =	shalt  }
0x6f: {  	_ =	shalt  }
0x70: {  	_ =	shalt  }
0x71: {  	_ =	shalt  }
0x72: {  	_ =	shalt  }
0x73: {  	_ =	shalt  }
0x74: {  	_ =	shalt  }
0x75: {  	_ =	shalt  }
0x76: {  	_ =	shalt  }
0x77: {  	_ =	shalt  }
0x78: {  	_ =	shalt  }
0x79: {  	_ =	shalt  }
0x7a: {  	_ =	shalt  }
0x7b: {  	_ =	shalt  }
0x7c: {  	_ =	shalt  }
0x7d: {  	_ =	shalt  }
0x7e: {  	_ =	shalt  }
0x7f: {  	_ =	shalt  }
0x80: {  	_ =	shalt  }
0x81: {  	_ =	shalt  }
0x82: {  	_ =	shalt  }
0x83: {  	_ =	shalt  }
0x84: {  	_ =	shalt  }
0x85: {  	_ =	shalt  }
0x86: {  	_ =	shalt  }
0x87: {  	_ =	shalt  }
.Lfunc_end0:
.L_simem_size_0:
called_computation_lowered:
.L_overlay_start_0:
0x88: {  	s2 =	sld [smem:$0x3FD9]  }
0x89: {  	s3 =	sld [smem:$0x3FFE];
	_ =	sdelay $0x1  }
0x8a: {  	s1 =	srdreg.scid  }
0x8b: {  	s0 =	sand.u32 $0x1, s1  }
0x8c: {  	s14 =	sshll.u32 s0, $0xA;
	s2 =	sadd.s32 s3, s2  }
0x8d: {  	s2 =	sadd.s32 s2, s14  }
0x8e: {  	[smem:$0x3FC6] =	sst s2  }
0x8f: {  	_ = 	snop  }
0x90: {  	s2 =	sld [smem:$0x3FD0];
	_ =	sdelay $0x2  }
0x91: {  	s4 =	simm.s32 $0xA;
	s5 =	simm.s32 $0x10;
	s15 =	sld [smem:$0x3FC8]  }
0x92: {  	[smem:s5], [sflag:s4] =	dma.local [hbm:s2], $0x1  }
0x93: {  	_ =	swait.eq [sflag:s4], $0x1  }
0x94: {  	[sflag:s4] =	ssyncset.done $0x0  }
0x95: {  	[sflag:s4] =	ssyncadd.s32 $0xFFFFFFFF  }
0x96: {  	s16 =	sld [smem:$0x11];
	(tm) =	ssettm $0x1  }
0x97: {  	s17 =	sld [smem:$0x3FFB];
	_ =	sdelay $0x3  }
0x98: {  	_ =	strace s17  }
0x99: {  	s4 =	sld [smem:$0x3FFC];
	_ =	sdelay $0x3  }
0x9a: {  	_ =	strace s4  }
0x9b: {  	s4 =	sld [smem:$0x3FFD];
	_ =	sdelay $0x3  }
0x9c: {  	_ =	strace s4  }
0x9d: {  	_ =	strace $0x8FFFFFFF  }
0x9e: {  	s18 =	sld [smem:$0x3FDB];
	_ =	sdelay $0x1  }
0x9f: {  	s19 =	simm.s32 $_scs_section_size  }
0xa0: {  	s6 =	simm.s32 $_size__tile_overlayer_lowered;
	s7 =	simm.s32 $_tile_overlayer_lowered  }
0xa1: {  	s22 =	simm.s32 $0x1BFF;
	s21 =	sshll.u32 s7, $0x1;
	s4 =	sadd.s32 s19, s18  }
0xa2: {  	s8 =	simm.s32 $0x0;
	s20 =	sshll.u32 s6, $0x1;
	s6 =	sadd.s32 s21, s4  }
0xa3: {  	[timem:s8], [sflag:s22] =	dma.local [hbm:s6], s20  }
0xa4: {  	_ =	swait.ge [sflag:s22], s20  }
0xa5: {  	s5 =	ssub.s32 $0x0, s20;
	[sflag:s22] =	ssyncset.done $0x0  }
0xa6: {  	[sflag:s22] =	ssyncadd.s32 s5;
	_ =	sdelay $0x1  }
0xa7: {  	s23 =	simm.s32 $0x1B8B  }
0xa8: {  	_ =	swait.ge [sflag:s23], $0x1  }
0xa9: {  	[sflag:s23] =	ssyncset.done $0x0  }
0xaa: {  	s25 =	simm.s32 $0x1B8E;
	s24 =	sld [smem:$0x3FFE];
	[sflag:s23] =	ssyncadd.s32 $0xFFFFFFFF  }
0xab: {  	s26 =	simm.s32 $execute0_lowered;
	[smem:$0x3FD2] =	sst s25  }
0xac: {  	s6 =	sshll.u32 s26, $0x1;
	_ =	strace $0x80000046;
	[dreg:$0x1] =	wrdreg $0xFFFFFFFF  }
0xad: {  	s28 =	simm.s32 $_size_execute0_lowered;
	s4 =	sadd.s32 s4, s6;
	[dreg:$0x0] =	wrdreg $0x0  }
0xae: {  	s6 =	sshll.u32 s28, $0x1;
	[dreg:$0x2] =	wrdreg s4  }
0xaf: {  	[dreg:$0x3] =	wrdreg s6  }
0xb0: {  	[dreg:$0x4] =	wrdreg $0xC0  }
0xb1: {  	_ =	task [dreg:s8], $0x5FFFF  }
0xb2: {  	[dreg:$0x1] =	wrdreg $0xFFFFFFFF  }
0xb3: {  	[dreg:$0x0] =	wrdreg $0x60  }
0xb4: {  	[dreg:$0x2] =	wrdreg s15  }
0xb5: {  	[dreg:$0x3] =	wrdreg s24  }
0xb6: {  	[dreg:$0x4] =	wrdreg s16  }
0xb7: {  	[dreg:$0x5] =	wrdreg $0x9  }
0xb8: {  	_ =	task.clear_ibuf [dreg:s8], $0x6FFFF;
	_ =	strace $0x90000046  }
0xb9: {  	s29 =	simm.s32 $0x9;
	_ =	strace $0x80000048  }
0xba: {  	_ =	swait.ge [sflag:s29], $0x1  }
0xbb: {  	[sflag:s29] =	ssyncadd.s32 $0xFFFFFFFF  }
0xbc: {  	_ =	strace $0x90000048  }
0xbd: {  	_ =	sfence  }
0xbe: {  	s30 =	sld [smem:$0x0];
	_ =	sdelay $0x2  }
0xbf: {  	s31 =	sshll.u32 s1, $0xD;
	s1 =	sshrl.u32 s1, $0x2  }
0xc0: {  	s3 =	sand.u32 $0x4000, s31;
	s1 =	sadd.s32 s1, s30  }
0xc1: {  	s0 =	sor.u32 s3, s0;
	s1 =	sshll.u32 s1, $0x11  }
0xc2: {  	s0 =	sor.u32 s1, s0  }
0xc3: {  	s0 =	sadd.s32 $0x8F2B, s0  }
0xc4: {  	[sflag:s0] =	ssyncadd.remote.s32 $0x1  }
0xc5: {  	_ =	sfence.sel $0xFFFF  }
0xc6: {  	[dreg:$0x0] =	wrdreg $0xFFFFFFFF;
	(pc) =	sbr.abs _section_cstart, $3  }
0xc7: {  	[dreg:$0x1] =	wrdreg $0xFFFFFFFF  }
0xc8: {  	_ =	task.clear_ibuf [dreg:s8], $0x2FFFF;
	_ =	strace $0x9FFFFFFF  }
0xc9: {  	(tm) =	ssettm $0x7FFFFFFF  }
tec
execute0_lowered:
.L_overlay_start_1:
0x0: {  	(tag) =	ssettag $0x1  }
0x1: {  	s1 =	rddreg [dreg:$0x0]  }
0x2: {  	s2 =	srdreg.scid;
	s4 =	rddreg [dreg:$0x1]  }
0x3: {  	s0 =	stileid.u32;
	s6 =	rddreg [dreg:$0x2];
	s19 =	simm.s32 $0x900  }
0x4: {  	s20 =	simm.s32 $0x1100;
	s21 =	simm.s32 $0x1900;
	s23 =	simm.s32 $0x2100  }
0x5: {  	s24 =	simm.s32 $0x2900;
	s25 =	simm.s32 $0x3100;
	s26 =	simm.s32 $0x3900  }
0x6: {  	s8 =	simm.s32 $0x4900;
	s9 =	simm.s32 $0x5100;
	s10 =	simm.s32 $0x5900  }
0x7: {  	s11 =	simm.s32 $0x6100;
	s12 =	simm.s32 $0x6900;
	s13 =	simm.s32 $0x7100  }
0x8: {  	s14 =	simm.s32 $0x7900;
	s15 =	simm.s32 $0x8100;
	s2 =	sand.u32 $0x1, s2  }
0x9: {  	s16 =	simm.s32 $0x8900;
	s3 =	sshll.u32 s0, $0x9;
	s5 =	sshll.u32 s2, $0x8  }
0xa: {  	s17 =	simm.s32 $0x9100;
	s5 =	sor.u32 s5, s3;
	s3 =	simm.s32 $0x0  }
0xb: {  	s28 =	simm.s32 $0xE100;
	s29 =	simm.s32 $0xE900;
	[smem:$0x7FF] =	sst s3  }
0xc: {  	s30 =	simm.s32 $0xF100;
	_ =	strace $0x80000047;
	[dreg:$0x6] =	wrdreg s19  }
0xd: {  	s31 =	simm.s32 $0xF900;
	s2 =	ssub.s32 $0x2, s2;
	[dreg:$0x7] =	wrdreg s20  }
0xe: {  	s22 =	sshrl.u32 s2, $0x1;
	s7 =	sshrl.u32 s5, $0x3;
	[dreg:$0x8] =	wrdreg s21  }
0xf: {  	s5 =	sshll.u32 s5, $0x5;
	s2 =	ssub.s32 s2, s22;
	[dreg:$0x9] =	wrdreg s23  }
0x10: {  	s22 =	simm.s32 $0xB900;
	s4 =	sadd.s32 s7, s4;
	[dreg:$0xa] =	wrdreg s24  }
0x11: {  	s18 =	sadd.s32 s6, s5;
	s5 =	simm.s32 $0x2;
	[dreg:$0xb] =	wrdreg s25  }
0x12: {  	s6 =	simm.s32 $0x100;
	[dreg:$0xc] =	wrdreg s26;
	s19 =	simm.s32 $0xA100  }
0x13: {  	s20 =	simm.s32 $0xA900;
	s21 =	simm.s32 $0xB100;
	s23 =	simm.s32 $0xC100  }
0x14: {  	v2 =	vlaneseq.u32;
	s24 =	simm.s32 $0xC900;
	s25 =	simm.s32 $0xD100;
	s26 =	simm.s32 $0xD900  }
0x15: {  	vm0 =	vmmov $0xffff;
	v1 =	vshrl.u32 v2, $0x3;
	s4 =	sadd.s32 $0x800, s4;
	[dreg:$0x5] =	wrdreg s18;
	s18 =	simm.s32 $0x9900  }
0x16: {  	v0 =	vand.u32 $0x7, v2;
	v2 =	vor.u32 $0x8, v2;
	v1 =	vmul.u32 $0x8, v1;
	[dreg:$0x4] =	wrdreg s4;
	s4 =	smax.u32 s2, $0x1;
	s2 =	simm.s32 $0x1  }
.LBB2_1:
0x17: {  	s0 =	rddreg [dreg:$0x4]  }
0x18: {  	[tilespmem:s3], [sflag:$0x2] =	stream.linear.gather [hbm4b:s0+s3], $0x100, $0x38;
	[tilespmem:$0x10100] =	vst v63  }
0x19: {  	_ =	swait.ge [sflag:s5], $0x100  }
0x1a: {  	[sflag:s5] =	ssyncset.done $0x0  }
0x1b: {  	[sflag:s5] =	ssyncadd.s32 $0xFFFFFF00  }
0x1c: {  	v3 =	vld [tilespmem:$0x0];
	_ =	sdelay $0x4  }
0x1d: {  	v4 =	vshll.u32 v3, $0x1  }
0x1e: {  	v3 =	vand.u32 $0x7, v3;
	v4 =	vand.u32 $0xFFFFFFF0, v4  }
0x1f: {  	v3 =	vor.u32 v3, v4  }
0x20: {  	v4 =	vperm.xlane v3, v0;
	_ =	sdelay $0x1  }
0x21: {  	v3 =	vperm.xlane v3, v2;
	v4 =	vadd.s32 v1, v4;
	_ =	sdelay $0x1  }
0x22: {  	v3 =	vadd.s32 v1, v3;
	_ =	sdelay $0x2  }
0x23: {  	[tilespmem:s6], [sflag:$0x1] =	stream.indirect_vreg.gather [hbm4b:s1+s3], $0x80, v4, vm0, $0xb8;
	[tilespmem:$0x10100] =	vst v63  }
0x24: {  	s7 =	rddreg [dreg:$0x6]  }
0x25: {  	[tilespmem:s7], [sflag:$0x1] =	stream.indirect_vreg.gather [hbm4b:s1+s3], $0x80, v3, vm0, $0xb8;
	[tilespmem:$0x10100] =	vst v63  }
0x26: {  	v3 =	vld [tilespmem:$0x10];
	_ =	sdelay $0x4  }
0x27: {  	v49 =	vshll.u32 v3, $0x1  }
0x28: {  	v3 =	vand.u32 $0x7, v3;
	v4 =	vand.u32 $0xFFFFFFF0, v49  }
0x29: {  	v3 =	vor.u32 v3, v4  }
0x2a: {  	v4 =	vperm.xlane v3, v0;
	_ =	sdelay $0x1  }
0x2b: {  	v3 =	vperm.xlane v3, v2;
	v4 =	vadd.s32 v1, v4;
	_ =	sdelay $0x1  }
0x2c: {  	v3 =	vadd.s32 v1, v3;
	_ =	sdelay $0x1  }
0x2d: {  	s0 =	rddreg [dreg:$0x7]  }
0x2e: {  	[tilespmem:s0], [sflag:$0x1] =	stream.indirect_vreg.gather [hbm4b:s1+s3], $0x80, v4, vm0, $0xb8;
	[tilespmem:$0x10100] =	vst v63  }
0x2f: {  	s7 =	rddreg [dreg:$0x8]  }
0x30: {  	[tilespmem:s7], [sflag:$0x1] =	stream.indirect_vreg.gather [hbm4b:s1+s3], $0x80, v3, vm0, $0xb8;
	[tilespmem:$0x10100] =	vst v63  }
0x31: {  	v3 =	vld [tilespmem:$0x20];
	_ =	sdelay $0x4  }
0x32: {  	v50 =	vshll.u32 v3, $0x1  }
0x33: {  	v3 =	vand.u32 $0x7, v3;
	v4 =	vand.u32 $0xFFFFFFF0, v50  }
0x34: {  	v3 =	vor.u32 v3, v4  }
0x35: {  	v4 =	vperm.xlane v3, v0;
	_ =	sdelay $0x1  }
0x36: {  	v3 =	vperm.xlane v3, v2;
	v4 =	vadd.s32 v1, v4;
	_ =	sdelay $0x1  }
0x37: {  	v3 =	vadd.s32 v1, v3;
	_ =	sdelay $0x1  }
0x38: {  	s0 =	rddreg [dreg:$0x9]  }
0x39: {  	[tilespmem:s0], [sflag:$0x1] =	stream.indirect_vreg.gather [hbm4b:s1+s3], $0x80, v4, vm0, $0xb8;
	[tilespmem:$0x10100] =	vst v63  }
0x3a: {  	s7 =	rddreg [dreg:$0xa]  }
0x3b: {  	[tilespmem:s7], [sflag:$0x1] =	stream.indirect_vreg.gather [hbm4b:s1+s3], $0x80, v3, vm0, $0xb8;
	[tilespmem:$0x10100] =	vst v63  }
0x3c: {  	v3 =	vld [tilespmem:$0x30];
	_ =	sdelay $0x4  }
0x3d: {  	v51 =	vshll.u32 v3, $0x1  }
0x3e: {  	v3 =	vand.u32 $0x7, v3;
	v4 =	vand.u32 $0xFFFFFFF0, v51  }
0x3f: {  	v3 =	vor.u32 v3, v4  }
0x40: {  	v4 =	vperm.xlane v3, v0;
	_ =	sdelay $0x1  }
0x41: {  	v3 =	vperm.xlane v3, v2;
	v4 =	vadd.s32 v1, v4;
	_ =	sdelay $0x1  }
0x42: {  	v3 =	vadd.s32 v1, v3;
	_ =	sdelay $0x1  }
0x43: {  	s0 =	rddreg [dreg:$0xb]  }
0x44: {  	[tilespmem:s0], [sflag:$0x1] =	stream.indirect_vreg.gather [hbm4b:s1+s3], $0x80, v4, vm0, $0xb8;
	[tilespmem:$0x10100] =	vst v63  }
0x45: {  	s7 =	rddreg [dreg:$0xc]  }
0x46: {  	[tilespmem:s7], [sflag:$0x1] =	stream.indirect_vreg.gather [hbm4b:s1+s3], $0x80, v3, vm0, $0xb8;
	[tilespmem:$0x10100] =	vst v63  }
0x47: {  	v3 =	vld [tilespmem:$0x40];
	_ =	sdelay $0x4  }
0x48: {  	v52 =	vshll.u32 v3, $0x1  }
0x49: {  	v3 =	vand.u32 $0x7, v3;
	v4 =	vand.u32 $0xFFFFFFF0, v52  }
0x4a: {  	v3 =	vor.u32 v3, v4  }
0x4b: {  	v4 =	vperm.xlane v3, v0;
	_ =	sdelay $0x1  }
0x4c: {  	v3 =	vperm.xlane v3, v2;
	v4 =	vadd.s32 v1, v4;
	_ =	sdelay $0x1  }
0x4d: {  	v3 =	vadd.s32 v1, v3;
	_ =	sdelay $0x1  }
0x4e: {  	s7 =	simm.s32 $0x4100  }
0x4f: {  	[tilespmem:s7], [sflag:$0x1] =	stream.indirect_vreg.gather [hbm4b:s1+s3], $0x80, v4, vm0, $0xb8;
	[tilespmem:$0x10100] =	vst v63  }
0x50: {  	_ = 	snop  }
0x51: {  	[tilespmem:s8], [sflag:$0x1] =	stream.indirect_vreg.gather [hbm4b:s1+s3], $0x80, v3, vm0, $0xb8;
	[tilespmem:$0x10100] =	vst v63  }
0x52: {  	v3 =	vld [tilespmem:$0x50];
	_ =	sdelay $0x4  }
0x53: {  	v53 =	vshll.u32 v3, $0x1  }
0x54: {  	v3 =	vand.u32 $0x7, v3;
	v4 =	vand.u32 $0xFFFFFFF0, v53  }
0x55: {  	v3 =	vor.u32 v3, v4  }
0x56: {  	v4 =	vperm.xlane v3, v0;
	_ =	sdelay $0x1  }
0x57: {  	v3 =	vperm.xlane v3, v2;
	v4 =	vadd.s32 v1, v4;
	_ =	sdelay $0x1  }
0x58: {  	v3 =	vadd.s32 v1, v3;
	_ =	sdelay $0x2  }
0x59: {  	[tilespmem:s9], [sflag:$0x1] =	stream.indirect_vreg.gather [hbm4b:s1+s3], $0x80, v4, vm0, $0xb8;
	[tilespmem:$0x10100] =	vst v63  }
0x5a: {  	_ = 	snop  }
0x5b: {  	[tilespmem:s10], [sflag:$0x1] =	stream.indirect_vreg.gather [hbm4b:s1+s3], $0x80, v3, vm0, $0xb8;
	[tilespmem:$0x10100] =	vst v63  }
0x5c: {  	v3 =	vld [tilespmem:$0x60];
	_ =	sdelay $0x4  }
0x5d: {  	v54 =	vshll.u32 v3, $0x1  }
0x5e: {  	v3 =	vand.u32 $0x7, v3;
	v4 =	vand.u32 $0xFFFFFFF0, v54  }
0x5f: {  	v3 =	vor.u32 v3, v4  }
0x60: {  	v4 =	vperm.xlane v3, v0;
	_ =	sdelay $0x1  }
0x61: {  	v3 =	vperm.xlane v3, v2;
	v4 =	vadd.s32 v1, v4;
	_ =	sdelay $0x1  }
0x62: {  	v3 =	vadd.s32 v1, v3;
	_ =	sdelay $0x2  }
0x63: {  	[tilespmem:s11], [sflag:$0x1] =	stream.indirect_vreg.gather [hbm4b:s1+s3], $0x80, v4, vm0, $0xb8;
	[tilespmem:$0x10100] =	vst v63  }
0x64: {  	_ = 	snop  }
0x65: {  	[tilespmem:s12], [sflag:$0x1] =	stream.indirect_vreg.gather [hbm4b:s1+s3], $0x80, v3, vm0, $0xb8;
	[tilespmem:$0x10100] =	vst v63  }
0x66: {  	v3 =	vld [tilespmem:$0x70];
	_ =	sdelay $0x4  }
0x67: {  	v55 =	vshll.u32 v3, $0x1  }
0x68: {  	v3 =	vand.u32 $0x7, v3;
	v4 =	vand.u32 $0xFFFFFFF0, v55  }
0x69: {  	v3 =	vor.u32 v3, v4  }
0x6a: {  	v4 =	vperm.xlane v3, v0;
	_ =	sdelay $0x1  }
0x6b: {  	v3 =	vperm.xlane v3, v2;
	v4 =	vadd.s32 v1, v4;
	_ =	sdelay $0x1  }
0x6c: {  	v3 =	vadd.s32 v1, v3;
	_ =	sdelay $0x2  }
0x6d: {  	[tilespmem:s13], [sflag:$0x1] =	stream.indirect_vreg.gather [hbm4b:s1+s3], $0x80, v4, vm0, $0xb8;
	[tilespmem:$0x10100] =	vst v63  }
0x6e: {  	_ = 	snop  }
0x6f: {  	[tilespmem:s14], [sflag:$0x1] =	stream.indirect_vreg.gather [hbm4b:s1+s3], $0x80, v3, vm0, $0xb8;
	[tilespmem:$0x10100] =	vst v63  }
0x70: {  	v3 =	vld [tilespmem:$0x80];
	_ =	sdelay $0x4  }
0x71: {  	v56 =	vshll.u32 v3, $0x1  }
0x72: {  	v3 =	vand.u32 $0x7, v3;
	v4 =	vand.u32 $0xFFFFFFF0, v56  }
0x73: {  	v3 =	vor.u32 v3, v4  }
0x74: {  	v4 =	vperm.xlane v3, v0;
	_ =	sdelay $0x1  }
0x75: {  	v3 =	vperm.xlane v3, v2;
	v4 =	vadd.s32 v1, v4;
	_ =	sdelay $0x1  }
0x76: {  	v3 =	vadd.s32 v1, v3;
	_ =	sdelay $0x2  }
0x77: {  	[tilespmem:s15], [sflag:$0x1] =	stream.indirect_vreg.gather [hbm4b:s1+s3], $0x80, v4, vm0, $0xb8;
	[tilespmem:$0x10100] =	vst v63  }
0x78: {  	_ = 	snop  }
0x79: {  	[tilespmem:s16], [sflag:$0x1] =	stream.indirect_vreg.gather [hbm4b:s1+s3], $0x80, v3, vm0, $0xb8;
	[tilespmem:$0x10100] =	vst v63  }
0x7a: {  	v3 =	vld [tilespmem:$0x90];
	_ =	sdelay $0x4  }
0x7b: {  	v57 =	vshll.u32 v3, $0x1  }
0x7c: {  	v3 =	vand.u32 $0x7, v3;
	v4 =	vand.u32 $0xFFFFFFF0, v57  }
0x7d: {  	v3 =	vor.u32 v3, v4  }
0x7e: {  	v4 =	vperm.xlane v3, v0;
	_ =	sdelay $0x1  }
0x7f: {  	v3 =	vperm.xlane v3, v2;
	v4 =	vadd.s32 v1, v4;
	_ =	sdelay $0x1  }
0x80: {  	v3 =	vadd.s32 v1, v3;
	_ =	sdelay $0x2  }
0x81: {  	[tilespmem:s17], [sflag:$0x1] =	stream.indirect_vreg.gather [hbm4b:s1+s3], $0x80, v4, vm0, $0xb8;
	[tilespmem:$0x10100] =	vst v63  }
0x82: {  	_ = 	snop  }
0x83: {  	[tilespmem:s18], [sflag:$0x1] =	stream.indirect_vreg.gather [hbm4b:s1+s3], $0x80, v3, vm0, $0xb8;
	[tilespmem:$0x10100] =	vst v63  }
0x84: {  	v3 =	vld [tilespmem:$0xA0];
	_ =	sdelay $0x4  }
0x85: {  	v58 =	vshll.u32 v3, $0x1  }
0x86: {  	v3 =	vand.u32 $0x7, v3;
	v4 =	vand.u32 $0xFFFFFFF0, v58  }
0x87: {  	v3 =	vor.u32 v3, v4  }
0x88: {  	v4 =	vperm.xlane v3, v0;
	_ =	sdelay $0x1  }
0x89: {  	v3 =	vperm.xlane v3, v2;
	v4 =	vadd.s32 v1, v4;
	_ =	sdelay $0x1  }
0x8a: {  	v3 =	vadd.s32 v1, v3;
	_ =	sdelay $0x2  }
0x8b: {  	[tilespmem:s19], [sflag:$0x1] =	stream.indirect_vreg.gather [hbm4b:s1+s3], $0x80, v4, vm0, $0xb8;
	[tilespmem:$0x10100] =	vst v63  }
0x8c: {  	_ = 	snop  }
0x8d: {  	[tilespmem:s20], [sflag:$0x1] =	stream.indirect_vreg.gather [hbm4b:s1+s3], $0x80, v3, vm0, $0xb8;
	[tilespmem:$0x10100] =	vst v63  }
0x8e: {  	v3 =	vld [tilespmem:$0xB0];
	_ =	sdelay $0x4  }
0x8f: {  	v59 =	vshll.u32 v3, $0x1  }
0x90: {  	v3 =	vand.u32 $0x7, v3;
	v4 =	vand.u32 $0xFFFFFFF0, v59  }
0x91: {  	v3 =	vor.u32 v3, v4  }
0x92: {  	v4 =	vperm.xlane v3, v0;
	_ =	sdelay $0x1  }
0x93: {  	v3 =	vperm.xlane v3, v2;
	v4 =	vadd.s32 v1, v4;
	_ =	sdelay $0x1  }
0x94: {  	v3 =	vadd.s32 v1, v3;
	_ =	sdelay $0x2  }
0x95: {  	[tilespmem:s21], [sflag:$0x1] =	stream.indirect_vreg.gather [hbm4b:s1+s3], $0x80, v4, vm0, $0xb8;
	[tilespmem:$0x10100] =	vst v63  }
0x96: {  	_ = 	snop  }
0x97: {  	[tilespmem:s22], [sflag:$0x1] =	stream.indirect_vreg.gather [hbm4b:s1+s3], $0x80, v3, vm0, $0xb8;
	[tilespmem:$0x10100] =	vst v63  }
0x98: {  	v3 =	vld [tilespmem:$0xC0];
	_ =	sdelay $0x4  }
0x99: {  	v60 =	vshll.u32 v3, $0x1  }
0x9a: {  	v3 =	vand.u32 $0x7, v3;
	v4 =	vand.u32 $0xFFFFFFF0, v60  }
0x9b: {  	v3 =	vor.u32 v3, v4  }
0x9c: {  	v4 =	vperm.xlane v3, v0;
	_ =	sdelay $0x1  }
0x9d: {  	v3 =	vperm.xlane v3, v2;
	v4 =	vadd.s32 v1, v4;
	_ =	sdelay $0x1  }
0x9e: {  	v3 =	vadd.s32 v1, v3;
	_ =	sdelay $0x2  }
0x9f: {  	[tilespmem:s23], [sflag:$0x1] =	stream.indirect_vreg.gather [hbm4b:s1+s3], $0x80, v4, vm0, $0xb8;
	[tilespmem:$0x10100] =	vst v63  }
0xa0: {  	_ = 	snop  }
0xa1: {  	[tilespmem:s24], [sflag:$0x1] =	stream.indirect_vreg.gather [hbm4b:s1+s3], $0x80, v3, vm0, $0xb8;
	[tilespmem:$0x10100] =	vst v63  }
0xa2: {  	v3 =	vld [tilespmem:$0xD0];
	_ =	sdelay $0x4  }
0xa3: {  	v61 =	vshll.u32 v3, $0x1  }
0xa4: {  	v3 =	vand.u32 $0x7, v3;
	v4 =	vand.u32 $0xFFFFFFF0, v61  }
0xa5: {  	v3 =	vor.u32 v3, v4  }
0xa6: {  	v4 =	vperm.xlane v3, v0;
	_ =	sdelay $0x1  }
0xa7: {  	v3 =	vperm.xlane v3, v2;
	v4 =	vadd.s32 v1, v4;
	_ =	sdelay $0x1  }
0xa8: {  	v3 =	vadd.s32 v1, v3;
	_ =	sdelay $0x2  }
0xa9: {  	[tilespmem:s25], [sflag:$0x1] =	stream.indirect_vreg.gather [hbm4b:s1+s3], $0x80, v4, vm0, $0xb8;
	[tilespmem:$0x10100] =	vst v63  }
0xaa: {  	_ = 	snop  }
0xab: {  	[tilespmem:s26], [sflag:$0x1] =	stream.indirect_vreg.gather [hbm4b:s1+s3], $0x80, v3, vm0, $0xb8;
	[tilespmem:$0x10100] =	vst v63  }
0xac: {  	v3 =	vld [tilespmem:$0xE0];
	_ =	sdelay $0x4  }
0xad: {  	v62 =	vshll.u32 v3, $0x1  }
0xae: {  	v3 =	vand.u32 $0x7, v3;
	v4 =	vand.u32 $0xFFFFFFF0, v62  }
0xaf: {  	v3 =	vor.u32 v3, v4  }
0xb0: {  	v4 =	vperm.xlane v3, v0;
	_ =	sdelay $0x1  }
0xb1: {  	v3 =	vperm.xlane v3, v2;
	v4 =	vadd.s32 v1, v4;
	_ =	sdelay $0x1  }
0xb2: {  	v3 =	vadd.s32 v1, v3;
	_ =	sdelay $0x2  }
0xb3: {  	[tilespmem:s28], [sflag:$0x1] =	stream.indirect_vreg.gather [hbm4b:s1+s3], $0x80, v4, vm0, $0xb8;
	[tilespmem:$0x10100] =	vst v63  }
0xb4: {  	_ = 	snop  }
0xb5: {  	[tilespmem:s29], [sflag:$0x1] =	stream.indirect_vreg.gather [hbm4b:s1+s3], $0x80, v3, vm0, $0xb8;
	[tilespmem:$0x10100] =	vst v63  }
0xb6: {  	v3 =	vld [tilespmem:$0xF0];
	_ =	sdelay $0x4  }
0xb7: {  	v63 =	vshll.u32 v3, $0x1  }
0xb8: {  	v3 =	vand.u32 $0x7, v3;
	v4 =	vand.u32 $0xFFFFFFF0, v63  }
0xb9: {  	v3 =	vor.u32 v3, v4  }
0xba: {  	v4 =	vperm.xlane v3, v0;
	_ =	sdelay $0x1  }
0xbb: {  	v3 =	vperm.xlane v3, v2;
	v4 =	vadd.s32 v1, v4;
	_ =	sdelay $0x1  }
0xbc: {  	v3 =	vadd.s32 v1, v3;
	_ =	sdelay $0x2  }
0xbd: {  	[tilespmem:s30], [sflag:$0x1] =	stream.indirect_vreg.gather [hbm4b:s1+s3], $0x80, v4, vm0, $0xb8;
	[tilespmem:$0x10100] =	vst v63  }
0xbe: {  	_ = 	snop  }
0xbf: {  	[tilespmem:s31], [sflag:$0x1] =	stream.indirect_vreg.gather [hbm4b:s1+s3], $0x80, v3, vm0, $0xb8;
	[tilespmem:$0x10100] =	vst v63  }
0xc0: {  	_ =	swait.ge [sflag:s2], $0x8000  }
0xc1: {  	[sflag:s2] =	ssyncset.done $0x0  }
0xc2: {  	[sflag:s2] =	ssyncadd.s32 $0xFFFF8000  }
0xc3: {  	_ =	swait.ge [sflag:s2], $0x8000  }
0xc4: {  	p0 =	sne.s32 s4, $0x1;
	[sflag:s2] =	ssyncset.done $0x0  }
.Ltmp0:
0xc5: {  	s7 =	rddreg [dreg:$0x5];
	[sflag:s2] =	ssyncadd.s32 $0xFFFF8000;
	(pc) =	sbr.rel @p0 .LBB2_1-.Ltmp0, $4  }
0xc6: {  	[hbm4b:s7+s3] =	stream.linear.scatter [tilespmem:s6], [sflag:$0x2], $0x10000, $0x38;
	[tilespmem:$0x10100] =	vst v63  }
0xc7: {  	_ =	swait.ge [sflag:s5], $0x10000  }
0xc8: {  	[sflag:s5] =	ssyncset.done $0x0  }
0xc9: {  	s4 =	sadd.s32 $0xFFFFFFFF, s4;
	[sflag:s5] =	ssyncadd.s32 $0xFFFF0000  }
0xca: {  	_ =	sfence.sel $0x180000  }
0xcb: {  	[bflag:$0x0] =	sbarrier.arrive $0xFFFF  }
0xcc: {  	_ =	strace $0x90000047  }
0xcd: {  	s0 =	stileid.u32;
	[bflag:$0x2] =	sbarrier.arrive $0xFFFF  }
0xce: {  	p0 =	sne.s32 s0, $0x0;
	s0 =	rddreg [dreg:$0x3]  }
0xcf: {  	s0 =	sadd.s32 @!p0 $0x100000, s0  }
0xd0: {  	[sflag:s0] =	ssyncadd.tile.s32 @!p0 $0x1;
	_ =	shalt  }
.Lfunc_end2:
_tile_overlayer_lowered:
.L_overlay_start_2:
0xd1: {  	(tag) =	ssettag $0x2  }
0xd2: {  	s0 =	rddreg [dreg:$0x0];
	s2 =	stileid.u32  }
0xd3: {  	s1 =	rddreg [dreg:$0x1];
	p0 =	sne.s32 s2, $0x0  }
0xd4: {  	s3 =	rddreg [dreg:$0x2];
	[bflag:$0x3] =	sbarrier.arrive $0xFFFF;
	s2 =	simm.s32 @!p0 $0x1C02  }
0xd5: {  	[timem:s3], [sflag:s2] =	dma.local @!p0 [hbm:s0], s1  }
0xd6: {  	s0 =	simm.s32 @!p0 $0x2  }
0xd7: {  	_ =	swait.ge @!p0 [sflag:s0], s1  }
0xd8: {  	s1 =	ssub.s32 @!p0 $0x0, s1;
	[sflag:s0] =	ssyncset.done @!p0 $0x0  }
0xd9: {  	[sflag:s0] =	ssyncadd.s32 @!p0 s1  }
0xda: {  	[bflag:$0x3] =	sbarrier.arrive $0xFFFF  }
0xdb: {  	_ =	shalt  }

</sc_bundles>
